<compile_context>
chip_gen: v7x
topology: tpu7x:2x2x1
jax: 0.10.2.dev20260603
libtpu: 0.0.44.dev20260713+nightly
codegen_flags: <defaults>
</compile_context>

<pallas_src>
import functools

import jax
import jax.numpy as jnp
from jax import lax
from jax.experimental import pallas as pl
from jax.experimental.pallas import tpu as pltpu
from jax.experimental.pallas import tpu_sc as plsc

N = 16384
NBITS = 14
D = 64
L = 16
NC = 2
NS = 16
NW = NC * NS
B = 128


def _rsqrt_nr(x):
    xh = x * 0.5
    i = plsc.bitcast(x, jnp.int32)
    i = jnp.int32(0x5F3759DF) - (i >> 1)
    y = plsc.bitcast(i, jnp.float32)
    y = y * (1.5 - xh * y * y)
    y = y * (1.5 - xh * y * y)
    y = y * (1.5 - xh * y * y)
    return y


def _make_sc_kernel(nblk):
    mesh = plsc.VectorSubcoreMesh(core_axis_name="c", subcore_axis_name="s")

    @functools.partial(
        pl.kernel,
        mesh=mesh,
        compiler_params=pltpu.CompilerParams(
            needs_layout_passes=False, use_tc_tiling_on_sc=False),
        out_type=jax.ShapeDtypeStruct((NW, L), jnp.float32),
        scratch_types=[
            pltpu.VMEM_SHARED((N, D), jnp.bfloat16),
            pltpu.VMEM((nblk, B), jnp.int32),
            pltpu.VMEM((nblk, B), jnp.float32),
            pltpu.VMEM((2, B), jnp.int32),
            pltpu.VMEM((2, B), jnp.int32),
            pltpu.VMEM((2, B, D), jnp.bfloat16),
            pltpu.VMEM((2, B, D), jnp.bfloat16),
            pltpu.VMEM((L,), jnp.float32),
            pltpu.SemaphoreType.DMA((2,)),
        ],
    )
    def sc_kernel(emb_hbm, pk_hbm, sd_hbm, out_hbm,
                  emb_sh, pk_v, sd_v, ii_v, jj_v, ri_v, rj_v, acc_v, sem):
        sid = lax.axis_index("s")
        wid = sid * NC + lax.axis_index("c")
        lane = lax.broadcasted_iota(jnp.int32, (L,), 0)

        rows = N // NS
        pltpu.sync_copy(emb_hbm.at[pl.ds(sid * rows, rows)],
                        emb_sh.at[pl.ds(sid * rows, rows)])
        pltpu.sync_copy(pk_hbm.at[wid], pk_v)
        pltpu.sync_copy(sd_hbm.at[wid], sd_v)
        plsc.subcore_barrier()

        def issue(b, t):
            for c in range(B // L):
                x = pk_v[t, pl.ds(c * L, L)]
                ii_v[b, pl.ds(c * L, L)] = x & (N - 1)
                jj_v[b, pl.ds(c * L, L)] = lax.shift_right_logical(x, NBITS)
            pltpu.async_copy(emb_sh.at[ii_v.at[b]], ri_v.at[b], sem.at[b])
            pltpu.async_copy(emb_sh.at[jj_v.at[b]], rj_v.at[b], sem.at[b])

        issue(0, 0)
        issue(1, 1)

        def block(t, acc):
            b = lax.rem(t, 2)
            pltpu.make_async_copy(
                emb_sh.at[ii_v.at[b]], ri_v.at[b], sem.at[b]).wait()
            pltpu.make_async_copy(
                emb_sh.at[jj_v.at[b]], rj_v.at[b], sem.at[b]).wait()
            def qstep(q, acc):
                tot = jnp.zeros((L,), jnp.float32)
                for r in range(L):
                    p = q * L + r
                    s = jnp.zeros((L,), jnp.float32)
                    for k in range(D // (2 * L)):
                        vi = ri_v[b, p, pl.ds(k * 2 * L, 2 * L)]
                        vj = rj_v[b, p, pl.ds(k * 2 * L, 2 * L)]
                        df = vi - vj
                        d0, d1 = plsc.unpack(
                            df, format=plsc.PackFormat.INTERLEAVED)
                        s = s + d0 * d0 + d1 * d1
                    tot = jnp.where(lane == r, jnp.sum(s), tot)
                dist = tot * _rsqrt_nr(jnp.maximum(tot, 1e-30))
                res = sd_v[t, pl.ds(q * L, L)] - dist
                return acc + res * res

            acc = lax.fori_loop(0, B // L, qstep, acc)
            tn = t + 2

            @pl.when(tn < nblk)
            def _():
                issue(b, tn)

            return acc

        acc = lax.fori_loop(0, nblk, block, jnp.zeros((L,), jnp.float32))
        acc_v[...] = acc
        pltpu.sync_copy(acc_v, out_hbm.at[wid])

    return sc_kernel


def kernel(emb, indices, small_dists):
    nnz = indices.shape[0]
    nblk = -(-nnz // (NW * B))
    nblk = nblk + (nblk % 2)
    pad = NW * nblk * B - nnz
    packed = indices[:, 0] + indices[:, 1] * N
    pk = jnp.pad(packed, (0, pad)).reshape(NW, nblk, B)
    sd = jnp.pad(small_dists, (0, pad)).reshape(NW, nblk, B)
    partial = _make_sc_kernel(nblk)(emb.astype(jnp.bfloat16), pk, sd)
    return jnp.sum(partial)

# --- scband reference (transcript-rebuilt; emitter-appended) ---
"""Pipeline reference for scband-local-metric-regularizer-33328946216979 (READ-ONLY COPY).

The authoritative reference and input builder live on the scoring server;
editing this copy changes nothing except your own understanding.
"""

import jax, jax.numpy as jnp
import numpy as np

N = 16384       # number of points
D = 64          # embedding dim
NNZ = 268435    # ~ N*N*0.001 masked (small-distance) pairs


def setup_inputs(seed: int = 0) -> dict:
    key = jax.random.key(seed)
    k1, k2, k3, k4 = jax.random.split(key, 4)
    emb = jax.random.normal(k1, (N, D), dtype=jnp.float32)
    # Precomputed nonzero(mask) -> [NNZ, 2] index pairs. Ensure i != j so that
    # the pairwise diff is never exactly zero (matches a hollow distance mask).
    i = jax.random.randint(k2, (NNZ,), 0, N, dtype=jnp.int32)
    off = jax.random.randint(k3, (NNZ,), 1, N, dtype=jnp.int32)
    j = (i + off) % N
    indices = jnp.stack([i, j], axis=1)
    # Precomputed dist_mat[mask] values (small distances)
    small_dists = jax.random.uniform(k4, (NNZ,), dtype=jnp.float32) * 2.0
    return {"emb": emb, "indices": indices, "small_dists": small_dists}


def reference(emb, indices, small_dists):
    # emb_diffs = emb[indices[:,0]] - emb[indices[:,1]]  (two large gathers)
    emb_diffs = jnp.take(emb, indices[:, 0], axis=0) - jnp.take(emb, indices[:, 1], axis=0)
    emb_small_dists = jnp.linalg.norm(emb_diffs, axis=1)
    return ((small_dists - emb_small_dists) ** 2).sum()

if __name__ == "__main__":
    import jax
    _d = setup_inputs()
    print(jax.jit(kernel)(*tuple(_d.values())))

</pallas_src>

<mosaic_0001>
#map = affine_map<(d0, d1) -> (0, 0)>
#map1 = affine_map<(d0, d1) -> (0, 0, 0)>
module attributes {stable_mosaic.version = 14 : i64} {
  func.func @sc_kernel(%arg0: i32, %arg1: i32, %arg2: memref<16384x64xbf16, #tpu.memory_space<hbm>>, %arg3: memref<32x66x128xi32, #tpu.memory_space<hbm>>, %arg4: memref<32x66x128xf32, #tpu.memory_space<hbm>>, %arg5: memref<32x16xf32, #tpu.memory_space<hbm>>, %arg6: memref<16384x64xbf16, #tpu.memory_space<vmem_shared>>, %arg7: memref<66x128xi32, #tpu.memory_space<vmem>>, %arg8: memref<66x128xf32, #tpu.memory_space<vmem>>, %arg9: memref<2x128xi32, #tpu.memory_space<vmem>>, %arg10: memref<2x128xi32, #tpu.memory_space<vmem>>, %arg11: memref<2x128x64xbf16, #tpu.memory_space<vmem>>, %arg12: memref<2x128x64xbf16, #tpu.memory_space<vmem>>, %arg13: memref<16xf32, #tpu.memory_space<vmem>>, %arg14: memref<2x!tpu.dma_semaphore, #tpu.memory_space<semaphore_mem>>) attributes {dimension_semantics = [#tpu.dimension_semantics<core_parallel>, #tpu.dimension_semantics<subcore_parallel>], iteration_bounds = array<i64: 2, 16>, scalar_prefetch = 0 : i64, scratch_operands = 9 : i64, tpu.core_type = #tpu.core_type<sc_vector_subcore>, window_params = [{transform_indices = #map}, {transform_indices = #map1}, {transform_indices = #map1}, {transform_indices = #map}]} {
    %mul3A = arith.constant 2 : i32
    %mul3A_0 = arith.muli %arg1, %mul3A : i32
    %add3A = arith.addi %mul3A_0, %arg0 : i32
    %iota3A = tpu.iota {dimensions = array<i32: 0>} : vector<16xi32>
    %mul3A_1 = arith.constant 1024 : i32
    %mul3A_2 = arith.muli %arg1, %mul3A_1 : i32
    %mul3A_3 = arith.constant 1024 : i32
    %mul3A_4 = arith.muli %arg1, %mul3A_3 : i32
    "tpu.region"() ({
      %run_scoped3A = tpu.sem_alloc : memref<!tpu.dma_semaphore, #tpu.memory_space<semaphore_mem>>
      %dma_start3A_356 = arith.constant 0 : i32
      %dma_start3A_357 = tpu.memref_slice %arg6[%mul3A_4, %dma_start3A_356] : memref<16384x64xbf16, #tpu.memory_space<vmem_shared>> -> memref<1024x64xbf16, #tpu.memory_space<vmem_shared>>
      %dma_start3A_358 = arith.constant 0 : i32
      %dma_start3A_359 = tpu.memref_slice %arg2[%mul3A_2, %dma_start3A_358] : memref<16384x64xbf16, #tpu.memory_space<hbm>> -> memref<1024x64xbf16, #tpu.memory_space<hbm>>
      tpu.enqueue_dma source(%dma_start3A_359 : memref<1024x64xbf16, #tpu.memory_space<hbm>>) target(%dma_start3A_357 : memref<1024x64xbf16, #tpu.memory_space<vmem_shared>>) target_semaphore(%run_scoped3A : memref<!tpu.dma_semaphore, #tpu.memory_space<semaphore_mem>>)
      %dma_wait3A = arith.constant 0 : i32
      %dma_wait3A_360 = tpu.memref_slice %arg6[%mul3A_4, %dma_wait3A] : memref<16384x64xbf16, #tpu.memory_space<vmem_shared>> -> memref<1024x64xbf16, #tpu.memory_space<vmem_shared>>
      %dma_wait3A_361 = arith.constant 0 : i32
      %dma_wait3A_362 = tpu.memref_slice %arg2[%mul3A_2, %dma_wait3A_361] : memref<16384x64xbf16, #tpu.memory_space<hbm>> -> memref<1024x64xbf16, #tpu.memory_space<hbm>>
      tpu.wait_dma2 semaphore(%run_scoped3A : memref<!tpu.dma_semaphore, #tpu.memory_space<semaphore_mem>>) src(%dma_wait3A_362 : memref<1024x64xbf16, #tpu.memory_space<hbm>>) dst(%dma_wait3A_360 : memref<1024x64xbf16, #tpu.memory_space<vmem_shared>>)
      tpu.yield
    }) : () -> ()
    "tpu.region"() ({
      %run_scoped3A = tpu.sem_alloc : memref<!tpu.dma_semaphore, #tpu.memory_space<semaphore_mem>>
      %dma_start3A_356 = arith.constant 0 : i32
      %dma_start3A_357 = arith.constant 0 : i32
      %dma_start3A_358 = tpu.memref_slice %arg3[%add3A, %dma_start3A_356, %dma_start3A_357] : memref<32x66x128xi32, #tpu.memory_space<hbm>> -> memref<1x66x128xi32, #tpu.memory_space<hbm>>
      %dma_start3A_359 = tpu.memref_squeeze %dma_start3A_358 : memref<1x66x128xi32, #tpu.memory_space<hbm>> -> memref<66x128xi32, #tpu.memory_space<hbm>>
      %dma_start3A_360 = arith.constant 0 : i32
      %dma_start3A_361 = arith.constant 0 : i32
      %dma_start3A_362 = tpu.memref_slice %arg3[%add3A, %dma_start3A_360, %dma_start3A_361] : memref<32x66x128xi32, #tpu.memory_space<hbm>> -> memref<1x66x128xi32, #tpu.memory_space<hbm>>
      %dma_start3A_363 = tpu.memref_squeeze %dma_start3A_362 : memref<1x66x128xi32, #tpu.memory_space<hbm>> -> memref<66x128xi32, #tpu.memory_space<hbm>>
      tpu.enqueue_dma source(%dma_start3A_363 : memref<66x128xi32, #tpu.memory_space<hbm>>) target(%arg7 : memref<66x128xi32, #tpu.memory_space<vmem>>) target_semaphore(%run_scoped3A : memref<!tpu.dma_semaphore, #tpu.memory_space<semaphore_mem>>)
      %dma_wait3A = arith.constant 0 : i32
      %dma_wait3A_364 = arith.constant 0 : i32
      %dma_wait3A_365 = tpu.memref_slice %arg3[%add3A, %dma_wait3A, %dma_wait3A_364] : memref<32x66x128xi32, #tpu.memory_space<hbm>> -> memref<1x66x128xi32, #tpu.memory_space<hbm>>
      %dma_wait3A_366 = tpu.memref_squeeze %dma_wait3A_365 : memref<1x66x128xi32, #tpu.memory_space<hbm>> -> memref<66x128xi32, #tpu.memory_space<hbm>>
      %dma_wait3A_367 = arith.constant 0 : i32
      %dma_wait3A_368 = arith.constant 0 : i32
      %dma_wait3A_369 = tpu.memref_slice %arg3[%add3A, %dma_wait3A_367, %dma_wait3A_368] : memref<32x66x128xi32, #tpu.memory_space<hbm>> -> memref<1x66x128xi32, #tpu.memory_space<hbm>>
      %dma_wait3A_370 = tpu.memref_squeeze %dma_wait3A_369 : memref<1x66x128xi32, #tpu.memory_space<hbm>> -> memref<66x128xi32, #tpu.memory_space<hbm>>
      tpu.wait_dma2 semaphore(%run_scoped3A : memref<!tpu.dma_semaphore, #tpu.memory_space<semaphore_mem>>) src(%dma_wait3A_370 : memref<66x128xi32, #tpu.memory_space<hbm>>) dst(%arg7 : memref<66x128xi32, #tpu.memory_space<vmem>>)
      tpu.yield
    }) : () -> ()
    "tpu.region"() ({
      %run_scoped3A = tpu.sem_alloc : memref<!tpu.dma_semaphore, #tpu.memory_space<semaphore_mem>>
      %dma_start3A_356 = arith.constant 0 : i32
      %dma_start3A_357 = arith.constant 0 : i32
      %dma_start3A_358 = tpu.memref_slice %arg4[%add3A, %dma_start3A_356, %dma_start3A_357] : memref<32x66x128xf32, #tpu.memory_space<hbm>> -> memref<1x66x128xf32, #tpu.memory_space<hbm>>
      %dma_start3A_359 = tpu.memref_squeeze %dma_start3A_358 : memref<1x66x128xf32, #tpu.memory_space<hbm>> -> memref<66x128xf32, #tpu.memory_space<hbm>>
      %dma_start3A_360 = arith.constant 0 : i32
      %dma_start3A_361 = arith.constant 0 : i32
      %dma_start3A_362 = tpu.memref_slice %arg4[%add3A, %dma_start3A_360, %dma_start3A_361] : memref<32x66x128xf32, #tpu.memory_space<hbm>> -> memref<1x66x128xf32, #tpu.memory_space<hbm>>
      %dma_start3A_363 = tpu.memref_squeeze %dma_start3A_362 : memref<1x66x128xf32, #tpu.memory_space<hbm>> -> memref<66x128xf32, #tpu.memory_space<hbm>>
      tpu.enqueue_dma source(%dma_start3A_363 : memref<66x128xf32, #tpu.memory_space<hbm>>) target(%arg8 : memref<66x128xf32, #tpu.memory_space<vmem>>) target_semaphore(%run_scoped3A : memref<!tpu.dma_semaphore, #tpu.memory_space<semaphore_mem>>)
      %dma_wait3A = arith.constant 0 : i32
      %dma_wait3A_364 = arith.constant 0 : i32
      %dma_wait3A_365 = tpu.memref_slice %arg4[%add3A, %dma_wait3A, %dma_wait3A_364] : memref<32x66x128xf32, #tpu.memory_space<hbm>> -> memref<1x66x128xf32, #tpu.memory_space<hbm>>
      %dma_wait3A_366 = tpu.memref_squeeze %dma_wait3A_365 : memref<1x66x128xf32, #tpu.memory_space<hbm>> -> memref<66x128xf32, #tpu.memory_space<hbm>>
      %dma_wait3A_367 = arith.constant 0 : i32
      %dma_wait3A_368 = arith.constant 0 : i32
      %dma_wait3A_369 = tpu.memref_slice %arg4[%add3A, %dma_wait3A_367, %dma_wait3A_368] : memref<32x66x128xf32, #tpu.memory_space<hbm>> -> memref<1x66x128xf32, #tpu.memory_space<hbm>>
      %dma_wait3A_370 = tpu.memref_squeeze %dma_wait3A_369 : memref<1x66x128xf32, #tpu.memory_space<hbm>> -> memref<66x128xf32, #tpu.memory_space<hbm>>
      tpu.wait_dma2 semaphore(%run_scoped3A : memref<!tpu.dma_semaphore, #tpu.memory_space<semaphore_mem>>) src(%dma_wait3A_370 : memref<66x128xf32, #tpu.memory_space<hbm>>) dst(%arg8 : memref<66x128xf32, #tpu.memory_space<vmem>>)
      tpu.yield
    }) : () -> ()
    %barrier3A = arith.constant 0 : index
    tpu.barrier barrier_id(%barrier3A)
    %get3A = arith.constant 0 : i32
    %get3A_5 = arith.index_cast %get3A : i32 to index
    %get3A_6 = arith.constant 0 : index
    %get3A_7 = tpu.vector_load %arg7[%get3A_5, %get3A_6] {strides = array<i32>} : memref<66x128xi32, #tpu.memory_space<vmem>>, vector<16xi32>,
    %and3A = arith.constant 16383 : i32
    %and3A_8 = vector.broadcast %and3A : i32 to vector<16xi32>
    %and3A_9 = arith.andi %get3A_7, %and3A_8 : vector<16xi32>
    %swap3A = arith.constant 0 : i32
    %swap3A_10 = arith.index_cast %swap3A : i32 to index
    %swap3A_11 = arith.constant 0 : index
    %swap3A_12 = tpu.vector_load %arg9[%swap3A_10, %swap3A_11] {strides = array<i32>} : memref<2x128xi32, #tpu.memory_space<vmem>>, vector<16xi32>,
    tpu.vector_store %arg9[%swap3A_10, %swap3A_11], %and3A_9 {strides = array<i32>} : memref<2x128xi32, #tpu.memory_space<vmem>>, vector<16xi32>,
    %shift_right_logical3A = arith.constant 14 : i32
    %shift_right_logical3A_13 = vector.broadcast %shift_right_logical3A : i32 to vector<16xi32>
    %shift_right_logical3A_14 = arith.shrui %get3A_7, %shift_right_logical3A_13 : vector<16xi32>
    %swap3A_15 = arith.constant 0 : i32
    %swap3A_16 = arith.index_cast %swap3A_15 : i32 to index
    %swap3A_17 = arith.constant 0 : index
    %swap3A_18 = tpu.vector_load %arg10[%swap3A_16, %swap3A_17] {strides = array<i32>} : memref<2x128xi32, #tpu.memory_space<vmem>>, vector<16xi32>,
    tpu.vector_store %arg10[%swap3A_16, %swap3A_17], %shift_right_logical3A_14 {strides = array<i32>} : memref<2x128xi32, #tpu.memory_space<vmem>>, vector<16xi32>,
    %get3A_19 = arith.constant 0 : i32
    %get3A_20 = arith.index_cast %get3A_19 : i32 to index
    %get3A_21 = arith.constant 16 : index
    %get3A_22 = tpu.vector_load %arg7[%get3A_20, %get3A_21] {strides = array<i32>} : memref<66x128xi32, #tpu.memory_space<vmem>>, vector<16xi32>,
    %and3A_23 = arith.constant 16383 : i32
    %and3A_24 = vector.broadcast %and3A_23 : i32 to vector<16xi32>
    %and3A_25 = arith.andi %get3A_22, %and3A_24 : vector<16xi32>
    %swap3A_26 = arith.constant 0 : i32
    %swap3A_27 = arith.index_cast %swap3A_26 : i32 to index
    %swap3A_28 = arith.constant 16 : index
    %swap3A_29 = tpu.vector_load %arg9[%swap3A_27, %swap3A_28] {strides = array<i32>} : memref<2x128xi32, #tpu.memory_space<vmem>>, vector<16xi32>,
    tpu.vector_store %arg9[%swap3A_27, %swap3A_28], %and3A_25 {strides = array<i32>} : memref<2x128xi32, #tpu.memory_space<vmem>>, vector<16xi32>,
    %shift_right_logical3A_30 = arith.constant 14 : i32
    %shift_right_logical3A_31 = vector.broadcast %shift_right_logical3A_30 : i32 to vector<16xi32>
    %shift_right_logical3A_32 = arith.shrui %get3A_22, %shift_right_logical3A_31 : vector<16xi32>
    %swap3A_33 = arith.constant 0 : i32
    %swap3A_34 = arith.index_cast %swap3A_33 : i32 to index
    %swap3A_35 = arith.constant 16 : index
    %swap3A_36 = tpu.vector_load %arg10[%swap3A_34, %swap3A_35] {strides = array<i32>} : memref<2x128xi32, #tpu.memory_space<vmem>>, vector<16xi32>,
    tpu.vector_store %arg10[%swap3A_34, %swap3A_35], %shift_right_logical3A_32 {strides = array<i32>} : memref<2x128xi32, #tpu.memory_space<vmem>>, vector<16xi32>,
    %get3A_37 = arith.constant 0 : i32
    %get3A_38 = arith.index_cast %get3A_37 : i32 to index
    %get3A_39 = arith.constant 32 : index
    %get3A_40 = tpu.vector_load %arg7[%get3A_38, %get3A_39] {strides = array<i32>} : memref<66x128xi32, #tpu.memory_space<vmem>>, vector<16xi32>,
    %and3A_41 = arith.constant 16383 : i32
    %and3A_42 = vector.broadcast %and3A_41 : i32 to vector<16xi32>
    %and3A_43 = arith.andi %get3A_40, %and3A_42 : vector<16xi32>
    %swap3A_44 = arith.constant 0 : i32
    %swap3A_45 = arith.index_cast %swap3A_44 : i32 to index
    %swap3A_46 = arith.constant 32 : index
    %swap3A_47 = tpu.vector_load %arg9[%swap3A_45, %swap3A_46] {strides = array<i32>} : memref<2x128xi32, #tpu.memory_space<vmem>>, vector<16xi32>,
    tpu.vector_store %arg9[%swap3A_45, %swap3A_46], %and3A_43 {strides = array<i32>} : memref<2x128xi32, #tpu.memory_space<vmem>>, vector<16xi32>,
    %shift_right_logical3A_48 = arith.constant 14 : i32
    %shift_right_logical3A_49 = vector.broadcast %shift_right_logical3A_48 : i32 to vector<16xi32>
    %shift_right_logical3A_50 = arith.shrui %get3A_40, %shift_right_logical3A_49 : vector<16xi32>
    %swap3A_51 = arith.constant 0 : i32
    %swap3A_52 = arith.index_cast %swap3A_51 : i32 to index
    %swap3A_53 = arith.constant 32 : index
    %swap3A_54 = tpu.vector_load %arg10[%swap3A_52, %swap3A_53] {strides = array<i32>} : memref<2x128xi32, #tpu.memory_space<vmem>>, vector<16xi32>,
    tpu.vector_store %arg10[%swap3A_52, %swap3A_53], %shift_right_logical3A_50 {strides = array<i32>} : memref<2x128xi32, #tpu.memory_space<vmem>>, vector<16xi32>,
    %get3A_55 = arith.constant 0 : i32
    %get3A_56 = arith.index_cast %get3A_55 : i32 to index
    %get3A_57 = arith.constant 48 : index
    %get3A_58 = tpu.vector_load %arg7[%get3A_56, %get3A_57] {strides = array<i32>} : memref<66x128xi32, #tpu.memory_space<vmem>>, vector<16xi32>,
    %and3A_59 = arith.constant 16383 : i32
    %and3A_60 = vector.broadcast %and3A_59 : i32 to vector<16xi32>
    %and3A_61 = arith.andi %get3A_58, %and3A_60 : vector<16xi32>
    %swap3A_62 = arith.constant 0 : i32
    %swap3A_63 = arith.index_cast %swap3A_62 : i32 to index
    %swap3A_64 = arith.constant 48 : index
    %swap3A_65 = tpu.vector_load %arg9[%swap3A_63, %swap3A_64] {strides = array<i32>} : memref<2x128xi32, #tpu.memory_space<vmem>>, vector<16xi32>,
    tpu.vector_store %arg9[%swap3A_63, %swap3A_64], %and3A_61 {strides = array<i32>} : memref<2x128xi32, #tpu.memory_space<vmem>>, vector<16xi32>,
    %shift_right_logical3A_66 = arith.constant 14 : i32
    %shift_right_logical3A_67 = vector.broadcast %shift_right_logical3A_66 : i32 to vector<16xi32>
    %shift_right_logical3A_68 = arith.shrui %get3A_58, %shift_right_logical3A_67 : vector<16xi32>
    %swap3A_69 = arith.constant 0 : i32
    %swap3A_70 = arith.index_cast %swap3A_69 : i32 to index
    %swap3A_71 = arith.constant 48 : index
    %swap3A_72 = tpu.vector_load %arg10[%swap3A_70, %swap3A_71] {strides = array<i32>} : memref<2x128xi32, #tpu.memory_space<vmem>>, vector<16xi32>,
    tpu.vector_store %arg10[%swap3A_70, %swap3A_71], %shift_right_logical3A_68 {strides = array<i32>} : memref<2x128xi32, #tpu.memory_space<vmem>>, vector<16xi32>,
    %get3A_73 = arith.constant 0 : i32
    %get3A_74 = arith.index_cast %get3A_73 : i32 to index
    %get3A_75 = arith.constant 64 : index
    %get3A_76 = tpu.vector_load %arg7[%get3A_74, %get3A_75] {strides = array<i32>} : memref<66x128xi32, #tpu.memory_space<vmem>>, vector<16xi32>,
    %and3A_77 = arith.constant 16383 : i32
    %and3A_78 = vector.broadcast %and3A_77 : i32 to vector<16xi32>
    %and3A_79 = arith.andi %get3A_76, %and3A_78 : vector<16xi32>
    %swap3A_80 = arith.constant 0 : i32
    %swap3A_81 = arith.index_cast %swap3A_80 : i32 to index
    %swap3A_82 = arith.constant 64 : index
    %swap3A_83 = tpu.vector_load %arg9[%swap3A_81, %swap3A_82] {strides = array<i32>} : memref<2x128xi32, #tpu.memory_space<vmem>>, vector<16xi32>,
    tpu.vector_store %arg9[%swap3A_81, %swap3A_82], %and3A_79 {strides = array<i32>} : memref<2x128xi32, #tpu.memory_space<vmem>>, vector<16xi32>,
    %shift_right_logical3A_84 = arith.constant 14 : i32
    %shift_right_logical3A_85 = vector.broadcast %shift_right_logical3A_84 : i32 to vector<16xi32>
    %shift_right_logical3A_86 = arith.shrui %get3A_76, %shift_right_logical3A_85 : vector<16xi32>
    %swap3A_87 = arith.constant 0 : i32
    %swap3A_88 = arith.index_cast %swap3A_87 : i32 to index
    %swap3A_89 = arith.constant 64 : index
    %swap3A_90 = tpu.vector_load %arg10[%swap3A_88, %swap3A_89] {strides = array<i32>} : memref<2x128xi32, #tpu.memory_space<vmem>>, vector<16xi32>,
    tpu.vector_store %arg10[%swap3A_88, %swap3A_89], %shift_right_logical3A_86 {strides = array<i32>} : memref<2x128xi32, #tpu.memory_space<vmem>>, vector<16xi32>,
    %get3A_91 = arith.constant 0 : i32
    %get3A_92 = arith.index_cast %get3A_91 : i32 to index
    %get3A_93 = arith.constant 80 : index
    %get3A_94 = tpu.vector_load %arg7[%get3A_92, %get3A_93] {strides = array<i32>} : memref<66x128xi32, #tpu.memory_space<vmem>>, vector<16xi32>,
    %and3A_95 = arith.constant 16383 : i32
    %and3A_96 = vector.broadcast %and3A_95 : i32 to vector<16xi32>
    %and3A_97 = arith.andi %get3A_94, %and3A_96 : vector<16xi32>
    %swap3A_98 = arith.constant 0 : i32
    %swap3A_99 = arith.index_cast %swap3A_98 : i32 to index
    %swap3A_100 = arith.constant 80 : index
    %swap3A_101 = tpu.vector_load %arg9[%swap3A_99, %swap3A_100] {strides = array<i32>} : memref<2x128xi32, #tpu.memory_space<vmem>>, vector<16xi32>,
    tpu.vector_store %arg9[%swap3A_99, %swap3A_100], %and3A_97 {strides = array<i32>} : memref<2x128xi32, #tpu.memory_space<vmem>>, vector<16xi32>,
    %shift_right_logical3A_102 = arith.constant 14 : i32
    %shift_right_logical3A_103 = vector.broadcast %shift_right_logical3A_102 : i32 to vector<16xi32>
    %shift_right_logical3A_104 = arith.shrui %get3A_94, %shift_right_logical3A_103 : vector<16xi32>
    %swap3A_105 = arith.constant 0 : i32
    %swap3A_106 = arith.index_cast %swap3A_105 : i32 to index
    %swap3A_107 = arith.constant 80 : index
    %swap3A_108 = tpu.vector_load %arg10[%swap3A_106, %swap3A_107] {strides = array<i32>} : memref<2x128xi32, #tpu.memory_space<vmem>>, vector<16xi32>,
    tpu.vector_store %arg10[%swap3A_106, %swap3A_107], %shift_right_logical3A_104 {strides = array<i32>} : memref<2x128xi32, #tpu.memory_space<vmem>>, vector<16xi32>,
    %get3A_109 = arith.constant 0 : i32
    %get3A_110 = arith.index_cast %get3A_109 : i32 to index
    %get3A_111 = arith.constant 96 : index
    %get3A_112 = tpu.vector_load %arg7[%get3A_110, %get3A_111] {strides = array<i32>} : memref<66x128xi32, #tpu.memory_space<vmem>>, vector<16xi32>,
    %and3A_113 = arith.constant 16383 : i32
    %and3A_114 = vector.broadcast %and3A_113 : i32 to vector<16xi32>
    %and3A_115 = arith.andi %get3A_112, %and3A_114 : vector<16xi32>
    %swap3A_116 = arith.constant 0 : i32
    %swap3A_117 = arith.index_cast %swap3A_116 : i32 to index
    %swap3A_118 = arith.constant 96 : index
    %swap3A_119 = tpu.vector_load %arg9[%swap3A_117, %swap3A_118] {strides = array<i32>} : memref<2x128xi32, #tpu.memory_space<vmem>>, vector<16xi32>,
    tpu.vector_store %arg9[%swap3A_117, %swap3A_118], %and3A_115 {strides = array<i32>} : memref<2x128xi32, #tpu.memory_space<vmem>>, vector<16xi32>,
    %shift_right_logical3A_120 = arith.constant 14 : i32
    %shift_right_logical3A_121 = vector.broadcast %shift_right_logical3A_120 : i32 to vector<16xi32>
    %shift_right_logical3A_122 = arith.shrui %get3A_112, %shift_right_logical3A_121 : vector<16xi32>
    %swap3A_123 = arith.constant 0 : i32
    %swap3A_124 = arith.index_cast %swap3A_123 : i32 to index
    %swap3A_125 = arith.constant 96 : index
    %swap3A_126 = tpu.vector_load %arg10[%swap3A_124, %swap3A_125] {strides = array<i32>} : memref<2x128xi32, #tpu.memory_space<vmem>>, vector<16xi32>,
    tpu.vector_store %arg10[%swap3A_124, %swap3A_125], %shift_right_logical3A_122 {strides = array<i32>} : memref<2x128xi32, #tpu.memory_space<vmem>>, vector<16xi32>,
    %get3A_127 = arith.constant 0 : i32
    %get3A_128 = arith.index_cast %get3A_127 : i32 to index
    %get3A_129 = arith.constant 112 : index
    %get3A_130 = tpu.vector_load %arg7[%get3A_128, %get3A_129] {strides = array<i32>} : memref<66x128xi32, #tpu.memory_space<vmem>>, vector<16xi32>,
    %and3A_131 = arith.constant 16383 : i32
    %and3A_132 = vector.broadcast %and3A_131 : i32 to vector<16xi32>
    %and3A_133 = arith.andi %get3A_130, %and3A_132 : vector<16xi32>
    %swap3A_134 = arith.constant 0 : i32
    %swap3A_135 = arith.index_cast %swap3A_134 : i32 to index
    %swap3A_136 = arith.constant 112 : index
    %swap3A_137 = tpu.vector_load %arg9[%swap3A_135, %swap3A_136] {strides = array<i32>} : memref<2x128xi32, #tpu.memory_space<vmem>>, vector<16xi32>,
    tpu.vector_store %arg9[%swap3A_135, %swap3A_136], %and3A_133 {strides = array<i32>} : memref<2x128xi32, #tpu.memory_space<vmem>>, vector<16xi32>,
    %shift_right_logical3A_138 = arith.constant 14 : i32
    %shift_right_logical3A_139 = vector.broadcast %shift_right_logical3A_138 : i32 to vector<16xi32>
    %shift_right_logical3A_140 = arith.shrui %get3A_130, %shift_right_logical3A_139 : vector<16xi32>
    %swap3A_141 = arith.constant 0 : i32
    %swap3A_142 = arith.index_cast %swap3A_141 : i32 to index
    %swap3A_143 = arith.constant 112 : index
    %swap3A_144 = tpu.vector_load %arg10[%swap3A_142, %swap3A_143] {strides = array<i32>} : memref<2x128xi32, #tpu.memory_space<vmem>>, vector<16xi32>,
    tpu.vector_store %arg10[%swap3A_142, %swap3A_143], %shift_right_logical3A_140 {strides = array<i32>} : memref<2x128xi32, #tpu.memory_space<vmem>>, vector<16xi32>,
    %dma_start3A = arith.constant 0 : i32
    %dma_start3A_145 = arith.constant 0 : i32
    %dma_start3A_146 = arith.constant 0 : i32
    %dma_start3A_147 = arith.constant 0 : i32
    %dma_start3A_148 = arith.constant 0 : i32
    %dma_start3A_149 = tpu.memref_slice %arg11[%dma_start3A_145, %dma_start3A_147, %dma_start3A_148] : memref<2x128x64xbf16, #tpu.memory_space<vmem>> -> memref<1x128x64xbf16, #tpu.memory_space<vmem>>
    %dma_start3A_150 = tpu.memref_squeeze %dma_start3A_149 : memref<1x128x64xbf16, #tpu.memory_space<vmem>> -> memref<128x64xbf16, #tpu.memory_space<vmem>>
    %dma_start3A_151 = arith.constant 0 : i32
    %dma_start3A_152 = tpu.memref_slice %arg9[%dma_start3A, %dma_start3A_151] : memref<2x128xi32, #tpu.memory_space<vmem>> -> memref<1x128xi32, #tpu.memory_space<vmem>>
    %dma_start3A_153 = tpu.memref_squeeze %dma_start3A_152 : memref<1x128xi32, #tpu.memory_space<vmem>> -> memref<128xi32, #tpu.memory_space<vmem>>
    %dma_start3A_154 = arith.constant 0 : i32
    %dma_start3A_155 = arith.constant 0 : i32
    %dma_start3A_156 = tpu.memref_slice %arg6[%dma_start3A_154, %dma_start3A_155] : memref<16384x64xbf16, #tpu.memory_space<vmem_shared>> -> memref<16384x64xbf16, #tpu.memory_space<vmem_shared>>
    %dma_start3A_157 = tpu.memref_slice %arg14[%dma_start3A_146] : memref<2x!tpu.dma_semaphore, #tpu.memory_space<semaphore_mem>> -> memref<1x!tpu.dma_semaphore, #tpu.memory_space<semaphore_mem>>
    %dma_start3A_158 = tpu.memref_squeeze %dma_start3A_157 : memref<1x!tpu.dma_semaphore, #tpu.memory_space<semaphore_mem>> -> memref<!tpu.dma_semaphore, #tpu.memory_space<semaphore_mem>>
    tpu.enqueue_indirect_dma source(%dma_start3A_156 : memref<16384x64xbf16, #tpu.memory_space<vmem_shared>>) target(%dma_start3A_150 : memref<128x64xbf16, #tpu.memory_space<vmem>>) offsets(%dma_start3A_153 : memref<128xi32, #tpu.memory_space<vmem>>) semaphore(%dma_start3A_158 : memref<!tpu.dma_semaphore, #tpu.memory_space<semaphore_mem>>)
    %dma_start3A_159 = arith.constant 0 : i32
    %dma_start3A_160 = arith.constant 0 : i32
    %dma_start3A_161 = arith.constant 0 : i32
    %dma_start3A_162 = arith.constant 0 : i32
    %dma_start3A_163 = arith.constant 0 : i32
    %dma_start3A_164 = tpu.memref_slice %arg12[%dma_start3A_160, %dma_start3A_162, %dma_start3A_163] : memref<2x128x64xbf16, #tpu.memory_space<vmem>> -> memref<1x128x64xbf16, #tpu.memory_space<vmem>>
    %dma_start3A_165 = tpu.memref_squeeze %dma_start3A_164 : memref<1x128x64xbf16, #tpu.memory_space<vmem>> -> memref<128x64xbf16, #tpu.memory_space<vmem>>
    %dma_start3A_166 = arith.constant 0 : i32
    %dma_start3A_167 = tpu.memref_slice %arg10[%dma_start3A_159, %dma_start3A_166] : memref<2x128xi32, #tpu.memory_space<vmem>> -> memref<1x128xi32, #tpu.memory_space<vmem>>
    %dma_start3A_168 = tpu.memref_squeeze %dma_start3A_167 : memref<1x128xi32, #tpu.memory_space<vmem>> -> memref<128xi32, #tpu.memory_space<vmem>>
    %dma_start3A_169 = arith.constant 0 : i32
    %dma_start3A_170 = arith.constant 0 : i32
    %dma_start3A_171 = tpu.memref_slice %arg6[%dma_start3A_169, %dma_start3A_170] : memref<16384x64xbf16, #tpu.memory_space<vmem_shared>> -> memref<16384x64xbf16, #tpu.memory_space<vmem_shared>>
    %dma_start3A_172 = tpu.memref_slice %arg14[%dma_start3A_161] : memref<2x!tpu.dma_semaphore, #tpu.memory_space<semaphore_mem>> -> memref<1x!tpu.dma_semaphore, #tpu.memory_space<semaphore_mem>>
    %dma_start3A_173 = tpu.memref_squeeze %dma_start3A_172 : memref<1x!tpu.dma_semaphore, #tpu.memory_space<semaphore_mem>> -> memref<!tpu.dma_semaphore, #tpu.memory_space<semaphore_mem>>
    tpu.enqueue_indirect_dma source(%dma_start3A_171 : memref<16384x64xbf16, #tpu.memory_space<vmem_shared>>) target(%dma_start3A_165 : memref<128x64xbf16, #tpu.memory_space<vmem>>) offsets(%dma_start3A_168 : memref<128xi32, #tpu.memory_space<vmem>>) semaphore(%dma_start3A_173 : memref<!tpu.dma_semaphore, #tpu.memory_space<semaphore_mem>>)
    %get3A_174 = arith.constant 1 : i32
    %get3A_175 = arith.index_cast %get3A_174 : i32 to index
    %get3A_176 = arith.constant 0 : index
    %get3A_177 = tpu.vector_load %arg7[%get3A_175, %get3A_176] {strides = array<i32>} : memref<66x128xi32, #tpu.memory_space<vmem>>, vector<16xi32>,
    %and3A_178 = arith.constant 16383 : i32
    %and3A_179 = vector.broadcast %and3A_178 : i32 to vector<16xi32>
    %and3A_180 = arith.andi %get3A_177, %and3A_179 : vector<16xi32>
    %swap3A_181 = arith.constant 1 : i32
    %swap3A_182 = arith.index_cast %swap3A_181 : i32 to index
    %swap3A_183 = arith.constant 0 : index
    %swap3A_184 = tpu.vector_load %arg9[%swap3A_182, %swap3A_183] {strides = array<i32>} : memref<2x128xi32, #tpu.memory_space<vmem>>, vector<16xi32>,
    tpu.vector_store %arg9[%swap3A_182, %swap3A_183], %and3A_180 {strides = array<i32>} : memref<2x128xi32, #tpu.memory_space<vmem>>, vector<16xi32>,
    %shift_right_logical3A_185 = arith.constant 14 : i32
    %shift_right_logical3A_186 = vector.broadcast %shift_right_logical3A_185 : i32 to vector<16xi32>
    %shift_right_logical3A_187 = arith.shrui %get3A_177, %shift_right_logical3A_186 : vector<16xi32>
    %swap3A_188 = arith.constant 1 : i32
    %swap3A_189 = arith.index_cast %swap3A_188 : i32 to index
    %swap3A_190 = arith.constant 0 : index
    %swap3A_191 = tpu.vector_load %arg10[%swap3A_189, %swap3A_190] {strides = array<i32>} : memref<2x128xi32, #tpu.memory_space<vmem>>, vector<16xi32>,
    tpu.vector_store %arg10[%swap3A_189, %swap3A_190], %shift_right_logical3A_187 {strides = array<i32>} : memref<2x128xi32, #tpu.memory_space<vmem>>, vector<16xi32>,
    %get3A_192 = arith.constant 1 : i32
    %get3A_193 = arith.index_cast %get3A_192 : i32 to index
    %get3A_194 = arith.constant 16 : index
    %get3A_195 = tpu.vector_load %arg7[%get3A_193, %get3A_194] {strides = array<i32>} : memref<66x128xi32, #tpu.memory_space<vmem>>, vector<16xi32>,
    %and3A_196 = arith.constant 16383 : i32
    %and3A_197 = vector.broadcast %and3A_196 : i32 to vector<16xi32>
    %and3A_198 = arith.andi %get3A_195, %and3A_197 : vector<16xi32>
    %swap3A_199 = arith.constant 1 : i32
    %swap3A_200 = arith.index_cast %swap3A_199 : i32 to index
    %swap3A_201 = arith.constant 16 : index
    %swap3A_202 = tpu.vector_load %arg9[%swap3A_200, %swap3A_201] {strides = array<i32>} : memref<2x128xi32, #tpu.memory_space<vmem>>, vector<16xi32>,
    tpu.vector_store %arg9[%swap3A_200, %swap3A_201], %and3A_198 {strides = array<i32>} : memref<2x128xi32, #tpu.memory_space<vmem>>, vector<16xi32>,
    %shift_right_logical3A_203 = arith.constant 14 : i32
    %shift_right_logical3A_204 = vector.broadcast %shift_right_logical3A_203 : i32 to vector<16xi32>
    %shift_right_logical3A_205 = arith.shrui %get3A_195, %shift_right_logical3A_204 : vector<16xi32>
    %swap3A_206 = arith.constant 1 : i32
    %swap3A_207 = arith.index_cast %swap3A_206 : i32 to index
    %swap3A_208 = arith.constant 16 : index
    %swap3A_209 = tpu.vector_load %arg10[%swap3A_207, %swap3A_208] {strides = array<i32>} : memref<2x128xi32, #tpu.memory_space<vmem>>, vector<16xi32>,
    tpu.vector_store %arg10[%swap3A_207, %swap3A_208], %shift_right_logical3A_205 {strides = array<i32>} : memref<2x128xi32, #tpu.memory_space<vmem>>, vector<16xi32>,
    %get3A_210 = arith.constant 1 : i32
    %get3A_211 = arith.index_cast %get3A_210 : i32 to index
    %get3A_212 = arith.constant 32 : index
    %get3A_213 = tpu.vector_load %arg7[%get3A_211, %get3A_212] {strides = array<i32>} : memref<66x128xi32, #tpu.memory_space<vmem>>, vector<16xi32>,
    %and3A_214 = arith.constant 16383 : i32
    %and3A_215 = vector.broadcast %and3A_214 : i32 to vector<16xi32>
    %and3A_216 = arith.andi %get3A_213, %and3A_215 : vector<16xi32>
    %swap3A_217 = arith.constant 1 : i32
    %swap3A_218 = arith.index_cast %swap3A_217 : i32 to index
    %swap3A_219 = arith.constant 32 : index
    %swap3A_220 = tpu.vector_load %arg9[%swap3A_218, %swap3A_219] {strides = array<i32>} : memref<2x128xi32, #tpu.memory_space<vmem>>, vector<16xi32>,
    tpu.vector_store %arg9[%swap3A_218, %swap3A_219], %and3A_216 {strides = array<i32>} : memref<2x128xi32, #tpu.memory_space<vmem>>, vector<16xi32>,
    %shift_right_logical3A_221 = arith.constant 14 : i32
    %shift_right_logical3A_222 = vector.broadcast %shift_right_logical3A_221 : i32 to vector<16xi32>
    %shift_right_logical3A_223 = arith.shrui %get3A_213, %shift_right_logical3A_222 : vector<16xi32>
    %swap3A_224 = arith.constant 1 : i32
    %swap3A_225 = arith.index_cast %swap3A_224 : i32 to index
    %swap3A_226 = arith.constant 32 : index
    %swap3A_227 = tpu.vector_load %arg10[%swap3A_225, %swap3A_226] {strides = array<i32>} : memref<2x128xi32, #tpu.memory_space<vmem>>, vector<16xi32>,
    tpu.vector_store %arg10[%swap3A_225, %swap3A_226], %shift_right_logical3A_223 {strides = array<i32>} : memref<2x128xi32, #tpu.memory_space<vmem>>, vector<16xi32>,
    %get3A_228 = arith.constant 1 : i32
    %get3A_229 = arith.index_cast %get3A_228 : i32 to index
    %get3A_230 = arith.constant 48 : index
    %get3A_231 = tpu.vector_load %arg7[%get3A_229, %get3A_230] {strides = array<i32>} : memref<66x128xi32, #tpu.memory_space<vmem>>, vector<16xi32>,
    %and3A_232 = arith.constant 16383 : i32
    %and3A_233 = vector.broadcast %and3A_232 : i32 to vector<16xi32>
    %and3A_234 = arith.andi %get3A_231, %and3A_233 : vector<16xi32>
    %swap3A_235 = arith.constant 1 : i32
    %swap3A_236 = arith.index_cast %swap3A_235 : i32 to index
    %swap3A_237 = arith.constant 48 : index
    %swap3A_238 = tpu.vector_load %arg9[%swap3A_236, %swap3A_237] {strides = array<i32>} : memref<2x128xi32, #tpu.memory_space<vmem>>, vector<16xi32>,
    tpu.vector_store %arg9[%swap3A_236, %swap3A_237], %and3A_234 {strides = array<i32>} : memref<2x128xi32, #tpu.memory_space<vmem>>, vector<16xi32>,
    %shift_right_logical3A_239 = arith.constant 14 : i32
    %shift_right_logical3A_240 = vector.broadcast %shift_right_logical3A_239 : i32 to vector<16xi32>
    %shift_right_logical3A_241 = arith.shrui %get3A_231, %shift_right_logical3A_240 : vector<16xi32>
    %swap3A_242 = arith.constant 1 : i32
    %swap3A_243 = arith.index_cast %swap3A_242 : i32 to index
    %swap3A_244 = arith.constant 48 : index
    %swap3A_245 = tpu.vector_load %arg10[%swap3A_243, %swap3A_244] {strides = array<i32>} : memref<2x128xi32, #tpu.memory_space<vmem>>, vector<16xi32>,
    tpu.vector_store %arg10[%swap3A_243, %swap3A_244], %shift_right_logical3A_241 {strides = array<i32>} : memref<2x128xi32, #tpu.memory_space<vmem>>, vector<16xi32>,
    %get3A_246 = arith.constant 1 : i32
    %get3A_247 = arith.index_cast %get3A_246 : i32 to index
    %get3A_248 = arith.constant 64 : index
    %get3A_249 = tpu.vector_load %arg7[%get3A_247, %get3A_248] {strides = array<i32>} : memref<66x128xi32, #tpu.memory_space<vmem>>, vector<16xi32>,
    %and3A_250 = arith.constant 16383 : i32
    %and3A_251 = vector.broadcast %and3A_250 : i32 to vector<16xi32>
    %and3A_252 = arith.andi %get3A_249, %and3A_251 : vector<16xi32>
    %swap3A_253 = arith.constant 1 : i32
    %swap3A_254 = arith.index_cast %swap3A_253 : i32 to index
    %swap3A_255 = arith.constant 64 : index
    %swap3A_256 = tpu.vector_load %arg9[%swap3A_254, %swap3A_255] {strides = array<i32>} : memref<2x128xi32, #tpu.memory_space<vmem>>, vector<16xi32>,
    tpu.vector_store %arg9[%swap3A_254, %swap3A_255], %and3A_252 {strides = array<i32>} : memref<2x128xi32, #tpu.memory_space<vmem>>, vector<16xi32>,
    %shift_right_logical3A_257 = arith.constant 14 : i32
    %shift_right_logical3A_258 = vector.broadcast %shift_right_logical3A_257 : i32 to vector<16xi32>
    %shift_right_logical3A_259 = arith.shrui %get3A_249, %shift_right_logical3A_258 : vector<16xi32>
    %swap3A_260 = arith.constant 1 : i32
    %swap3A_261 = arith.index_cast %swap3A_260 : i32 to index
    %swap3A_262 = arith.constant 64 : index
    %swap3A_263 = tpu.vector_load %arg10[%swap3A_261, %swap3A_262] {strides = array<i32>} : memref<2x128xi32, #tpu.memory_space<vmem>>, vector<16xi32>,
    tpu.vector_store %arg10[%swap3A_261, %swap3A_262], %shift_right_logical3A_259 {strides = array<i32>} : memref<2x128xi32, #tpu.memory_space<vmem>>, vector<16xi32>,
    %get3A_264 = arith.constant 1 : i32
    %get3A_265 = arith.index_cast %get3A_264 : i32 to index
    %get3A_266 = arith.constant 80 : index
    %get3A_267 = tpu.vector_load %arg7[%get3A_265, %get3A_266] {strides = array<i32>} : memref<66x128xi32, #tpu.memory_space<vmem>>, vector<16xi32>,
    %and3A_268 = arith.constant 16383 : i32
    %and3A_269 = vector.broadcast %and3A_268 : i32 to vector<16xi32>
    %and3A_270 = arith.andi %get3A_267, %and3A_269 : vector<16xi32>
    %swap3A_271 = arith.constant 1 : i32
    %swap3A_272 = arith.index_cast %swap3A_271 : i32 to index
    %swap3A_273 = arith.constant 80 : index
    %swap3A_274 = tpu.vector_load %arg9[%swap3A_272, %swap3A_273] {strides = array<i32>} : memref<2x128xi32, #tpu.memory_space<vmem>>, vector<16xi32>,
    tpu.vector_store %arg9[%swap3A_272, %swap3A_273], %and3A_270 {strides = array<i32>} : memref<2x128xi32, #tpu.memory_space<vmem>>, vector<16xi32>,
    %shift_right_logical3A_275 = arith.constant 14 : i32
    %shift_right_logical3A_276 = vector.broadcast %shift_right_logical3A_275 : i32 to vector<16xi32>
    %shift_right_logical3A_277 = arith.shrui %get3A_267, %shift_right_logical3A_276 : vector<16xi32>
    %swap3A_278 = arith.constant 1 : i32
    %swap3A_279 = arith.index_cast %swap3A_278 : i32 to index
    %swap3A_280 = arith.constant 80 : index
    %swap3A_281 = tpu.vector_load %arg10[%swap3A_279, %swap3A_280] {strides = array<i32>} : memref<2x128xi32, #tpu.memory_space<vmem>>, vector<16xi32>,
    tpu.vector_store %arg10[%swap3A_279, %swap3A_280], %shift_right_logical3A_277 {strides = array<i32>} : memref<2x128xi32, #tpu.memory_space<vmem>>, vector<16xi32>,
    %get3A_282 = arith.constant 1 : i32
    %get3A_283 = arith.index_cast %get3A_282 : i32 to index
    %get3A_284 = arith.constant 96 : index
    %get3A_285 = tpu.vector_load %arg7[%get3A_283, %get3A_284] {strides = array<i32>} : memref<66x128xi32, #tpu.memory_space<vmem>>, vector<16xi32>,
    %and3A_286 = arith.constant 16383 : i32
    %and3A_287 = vector.broadcast %and3A_286 : i32 to vector<16xi32>
    %and3A_288 = arith.andi %get3A_285, %and3A_287 : vector<16xi32>
    %swap3A_289 = arith.constant 1 : i32
    %swap3A_290 = arith.index_cast %swap3A_289 : i32 to index
    %swap3A_291 = arith.constant 96 : index
    %swap3A_292 = tpu.vector_load %arg9[%swap3A_290, %swap3A_291] {strides = array<i32>} : memref<2x128xi32, #tpu.memory_space<vmem>>, vector<16xi32>,
    tpu.vector_store %arg9[%swap3A_290, %swap3A_291], %and3A_288 {strides = array<i32>} : memref<2x128xi32, #tpu.memory_space<vmem>>, vector<16xi32>,
    %shift_right_logical3A_293 = arith.constant 14 : i32
    %shift_right_logical3A_294 = vector.broadcast %shift_right_logical3A_293 : i32 to vector<16xi32>
    %shift_right_logical3A_295 = arith.shrui %get3A_285, %shift_right_logical3A_294 : vector<16xi32>
    %swap3A_296 = arith.constant 1 : i32
    %swap3A_297 = arith.index_cast %swap3A_296 : i32 to index
    %swap3A_298 = arith.constant 96 : index
    %swap3A_299 = tpu.vector_load %arg10[%swap3A_297, %swap3A_298] {strides = array<i32>} : memref<2x128xi32, #tpu.memory_space<vmem>>, vector<16xi32>,
    tpu.vector_store %arg10[%swap3A_297, %swap3A_298], %shift_right_logical3A_295 {strides = array<i32>} : memref<2x128xi32, #tpu.memory_space<vmem>>, vector<16xi32>,
    %get3A_300 = arith.constant 1 : i32
    %get3A_301 = arith.index_cast %get3A_300 : i32 to index
    %get3A_302 = arith.constant 112 : index
    %get3A_303 = tpu.vector_load %arg7[%get3A_301, %get3A_302] {strides = array<i32>} : memref<66x128xi32, #tpu.memory_space<vmem>>, vector<16xi32>,
    %and3A_304 = arith.constant 16383 : i32
    %and3A_305 = vector.broadcast %and3A_304 : i32 to vector<16xi32>
    %and3A_306 = arith.andi %get3A_303, %and3A_305 : vector<16xi32>
    %swap3A_307 = arith.constant 1 : i32
    %swap3A_308 = arith.index_cast %swap3A_307 : i32 to index
    %swap3A_309 = arith.constant 112 : index
    %swap3A_310 = tpu.vector_load %arg9[%swap3A_308, %swap3A_309] {strides = array<i32>} : memref<2x128xi32, #tpu.memory_space<vmem>>, vector<16xi32>,
    tpu.vector_store %arg9[%swap3A_308, %swap3A_309], %and3A_306 {strides = array<i32>} : memref<2x128xi32, #tpu.memory_space<vmem>>, vector<16xi32>,
    %shift_right_logical3A_311 = arith.constant 14 : i32
    %shift_right_logical3A_312 = vector.broadcast %shift_right_logical3A_311 : i32 to vector<16xi32>
    %shift_right_logical3A_313 = arith.shrui %get3A_303, %shift_right_logical3A_312 : vector<16xi32>
    %swap3A_314 = arith.constant 1 : i32
    %swap3A_315 = arith.index_cast %swap3A_314 : i32 to index
    %swap3A_316 = arith.constant 112 : index
    %swap3A_317 = tpu.vector_load %arg10[%swap3A_315, %swap3A_316] {strides = array<i32>} : memref<2x128xi32, #tpu.memory_space<vmem>>, vector<16xi32>,
    tpu.vector_store %arg10[%swap3A_315, %swap3A_316], %shift_right_logical3A_313 {strides = array<i32>} : memref<2x128xi32, #tpu.memory_space<vmem>>, vector<16xi32>,
    %dma_start3A_318 = arith.constant 1 : i32
    %dma_start3A_319 = arith.constant 1 : i32
    %dma_start3A_320 = arith.constant 1 : i32
    %dma_start3A_321 = arith.constant 0 : i32
    %dma_start3A_322 = arith.constant 0 : i32
    %dma_start3A_323 = tpu.memref_slice %arg11[%dma_start3A_319, %dma_start3A_321, %dma_start3A_322] : memref<2x128x64xbf16, #tpu.memory_space<vmem>> -> memref<1x128x64xbf16, #tpu.memory_space<vmem>>
    %dma_start3A_324 = tpu.memref_squeeze %dma_start3A_323 : memref<1x128x64xbf16, #tpu.memory_space<vmem>> -> memref<128x64xbf16, #tpu.memory_space<vmem>>
    %dma_start3A_325 = arith.constant 0 : i32
    %dma_start3A_326 = tpu.memref_slice %arg9[%dma_start3A_318, %dma_start3A_325] : memref<2x128xi32, #tpu.memory_space<vmem>> -> memref<1x128xi32, #tpu.memory_space<vmem>>
    %dma_start3A_327 = tpu.memref_squeeze %dma_start3A_326 : memref<1x128xi32, #tpu.memory_space<vmem>> -> memref<128xi32, #tpu.memory_space<vmem>>
    %dma_start3A_328 = arith.constant 0 : i32
    %dma_start3A_329 = arith.constant 0 : i32
    %dma_start3A_330 = tpu.memref_slice %arg6[%dma_start3A_328, %dma_start3A_329] : memref<16384x64xbf16, #tpu.memory_space<vmem_shared>> -> memref<16384x64xbf16, #tpu.memory_space<vmem_shared>>
    %dma_start3A_331 = tpu.memref_slice %arg14[%dma_start3A_320] : memref<2x!tpu.dma_semaphore, #tpu.memory_space<semaphore_mem>> -> memref<1x!tpu.dma_semaphore, #tpu.memory_space<semaphore_mem>>
    %dma_start3A_332 = tpu.memref_squeeze %dma_start3A_331 : memref<1x!tpu.dma_semaphore, #tpu.memory_space<semaphore_mem>> -> memref<!tpu.dma_semaphore, #tpu.memory_space<semaphore_mem>>
    tpu.enqueue_indirect_dma source(%dma_start3A_330 : memref<16384x64xbf16, #tpu.memory_space<vmem_shared>>) target(%dma_start3A_324 : memref<128x64xbf16, #tpu.memory_space<vmem>>) offsets(%dma_start3A_327 : memref<128xi32, #tpu.memory_space<vmem>>) semaphore(%dma_start3A_332 : memref<!tpu.dma_semaphore, #tpu.memory_space<semaphore_mem>>)
    %dma_start3A_333 = arith.constant 1 : i32
    %dma_start3A_334 = arith.constant 1 : i32
    %dma_start3A_335 = arith.constant 1 : i32
    %dma_start3A_336 = arith.constant 0 : i32
    %dma_start3A_337 = arith.constant 0 : i32
    %dma_start3A_338 = tpu.memref_slice %arg12[%dma_start3A_334, %dma_start3A_336, %dma_start3A_337] : memref<2x128x64xbf16, #tpu.memory_space<vmem>> -> memref<1x128x64xbf16, #tpu.memory_space<vmem>>
    %dma_start3A_339 = tpu.memref_squeeze %dma_start3A_338 : memref<1x128x64xbf16, #tpu.memory_space<vmem>> -> memref<128x64xbf16, #tpu.memory_space<vmem>>
    %dma_start3A_340 = arith.constant 0 : i32
    %dma_start3A_341 = tpu.memref_slice %arg10[%dma_start3A_333, %dma_start3A_340] : memref<2x128xi32, #tpu.memory_space<vmem>> -> memref<1x128xi32, #tpu.memory_space<vmem>>
    %dma_start3A_342 = tpu.memref_squeeze %dma_start3A_341 : memref<1x128xi32, #tpu.memory_space<vmem>> -> memref<128xi32, #tpu.memory_space<vmem>>
    %dma_start3A_343 = arith.constant 0 : i32
    %dma_start3A_344 = arith.constant 0 : i32
    %dma_start3A_345 = tpu.memref_slice %arg6[%dma_start3A_343, %dma_start3A_344] : memref<16384x64xbf16, #tpu.memory_space<vmem_shared>> -> memref<16384x64xbf16, #tpu.memory_space<vmem_shared>>
    %dma_start3A_346 = tpu.memref_slice %arg14[%dma_start3A_335] : memref<2x!tpu.dma_semaphore, #tpu.memory_space<semaphore_mem>> -> memref<1x!tpu.dma_semaphore, #tpu.memory_space<semaphore_mem>>
    %dma_start3A_347 = tpu.memref_squeeze %dma_start3A_346 : memref<1x!tpu.dma_semaphore, #tpu.memory_space<semaphore_mem>> -> memref<!tpu.dma_semaphore, #tpu.memory_space<semaphore_mem>>
    tpu.enqueue_indirect_dma source(%dma_start3A_345 : memref<16384x64xbf16, #tpu.memory_space<vmem_shared>>) target(%dma_start3A_339 : memref<128x64xbf16, #tpu.memory_space<vmem>>) offsets(%dma_start3A_342 : memref<128xi32, #tpu.memory_space<vmem>>) semaphore(%dma_start3A_347 : memref<!tpu.dma_semaphore, #tpu.memory_space<semaphore_mem>>)
    %broadcast_in_dim3A = arith.constant 0.000000e+00 : f32
    %broadcast_in_dim3A_348 = vector.broadcast %broadcast_in_dim3A : f32 to vector<16xf32>
    %scan3A = arith.constant 0 : i32
    %scan3A_349 = arith.constant 66 : i32
    %scan3A_350 = arith.addi %scan3A, %scan3A_349 : i32
    %scan3A_351 = arith.constant 1 : i32
    %scan3A_352 = scf.for %scan3A_356 = %scan3A to %scan3A_350 step %scan3A_351 iter_args(%scan3A_357 = %broadcast_in_dim3A_348) -> (vector<16xf32>)  : i32 {
      %rem3A = arith.constant 2 : i32
      %rem3A_358 = arith.remsi %scan3A_356, %rem3A : i32
      %dma_wait3A = arith.constant 0 : i32
      %dma_wait3A_359 = arith.constant 0 : i32
      %dma_wait3A_360 = tpu.memref_slice %arg11[%rem3A_358, %dma_wait3A, %dma_wait3A_359] : memref<2x128x64xbf16, #tpu.memory_space<vmem>> -> memref<1x128x64xbf16, #tpu.memory_space<vmem>>
      %dma_wait3A_361 = tpu.memref_squeeze %dma_wait3A_360 : memref<1x128x64xbf16, #tpu.memory_space<vmem>> -> memref<128x64xbf16, #tpu.memory_space<vmem>>
      %dma_wait3A_362 = arith.constant 0 : i32
      %dma_wait3A_363 = tpu.memref_slice %arg9[%rem3A_358, %dma_wait3A_362] : memref<2x128xi32, #tpu.memory_space<vmem>> -> memref<1x128xi32, #tpu.memory_space<vmem>>
      %dma_wait3A_364 = tpu.memref_squeeze %dma_wait3A_363 : memref<1x128xi32, #tpu.memory_space<vmem>> -> memref<128xi32, #tpu.memory_space<vmem>>
      %dma_wait3A_365 = arith.constant 0 : i32
      %dma_wait3A_366 = arith.constant 0 : i32
      %dma_wait3A_367 = tpu.memref_slice %arg6[%dma_wait3A_365, %dma_wait3A_366] : memref<16384x64xbf16, #tpu.memory_space<vmem_shared>> -> memref<16384x64xbf16, #tpu.memory_space<vmem_shared>>
      %dma_wait3A_368 = tpu.memref_slice %arg14[%rem3A_358] : memref<2x!tpu.dma_semaphore, #tpu.memory_space<semaphore_mem>> -> memref<1x!tpu.dma_semaphore, #tpu.memory_space<semaphore_mem>>
      %dma_wait3A_369 = tpu.memref_squeeze %dma_wait3A_368 : memref<1x!tpu.dma_semaphore, #tpu.memory_space<semaphore_mem>> -> memref<!tpu.dma_semaphore, #tpu.memory_space<semaphore_mem>>
      tpu.wait_indirect_dma semaphore(%dma_wait3A_369 : memref<!tpu.dma_semaphore, #tpu.memory_space<semaphore_mem>>) src(%dma_wait3A_367 : memref<16384x64xbf16, #tpu.memory_space<vmem_shared>>) dst(%dma_wait3A_361 : memref<128x64xbf16, #tpu.memory_space<vmem>>)
      %dma_wait3A_370 = arith.constant 0 : i32
      %dma_wait3A_371 = arith.constant 0 : i32
      %dma_wait3A_372 = tpu.memref_slice %arg12[%rem3A_358, %dma_wait3A_370, %dma_wait3A_371] : memref<2x128x64xbf16, #tpu.memory_space<vmem>> -> memref<1x128x64xbf16, #tpu.memory_space<vmem>>
      %dma_wait3A_373 = tpu.memref_squeeze %dma_wait3A_372 : memref<1x128x64xbf16, #tpu.memory_space<vmem>> -> memref<128x64xbf16, #tpu.memory_space<vmem>>
      %dma_wait3A_374 = arith.constant 0 : i32
      %dma_wait3A_375 = tpu.memref_slice %arg10[%rem3A_358, %dma_wait3A_374] : memref<2x128xi32, #tpu.memory_space<vmem>> -> memref<1x128xi32, #tpu.memory_space<vmem>>
      %dma_wait3A_376 = tpu.memref_squeeze %dma_wait3A_375 : memref<1x128xi32, #tpu.memory_space<vmem>> -> memref<128xi32, #tpu.memory_space<vmem>>
      %dma_wait3A_377 = arith.constant 0 : i32
      %dma_wait3A_378 = arith.constant 0 : i32
      %dma_wait3A_379 = tpu.memref_slice %arg6[%dma_wait3A_377, %dma_wait3A_378] : memref<16384x64xbf16, #tpu.memory_space<vmem_shared>> -> memref<16384x64xbf16, #tpu.memory_space<vmem_shared>>
      %dma_wait3A_380 = tpu.memref_slice %arg14[%rem3A_358] : memref<2x!tpu.dma_semaphore, #tpu.memory_space<semaphore_mem>> -> memref<1x!tpu.dma_semaphore, #tpu.memory_space<semaphore_mem>>
      %dma_wait3A_381 = tpu.memref_squeeze %dma_wait3A_380 : memref<1x!tpu.dma_semaphore, #tpu.memory_space<semaphore_mem>> -> memref<!tpu.dma_semaphore, #tpu.memory_space<semaphore_mem>>
      tpu.wait_indirect_dma semaphore(%dma_wait3A_381 : memref<!tpu.dma_semaphore, #tpu.memory_space<semaphore_mem>>) src(%dma_wait3A_379 : memref<16384x64xbf16, #tpu.memory_space<vmem_shared>>) dst(%dma_wait3A_373 : memref<128x64xbf16, #tpu.memory_space<vmem>>)
      %scan3A_382 = arith.constant 0 : i32
      %scan3A_383 = arith.constant 8 : i32
      %scan3A_384 = arith.addi %scan3A_382, %scan3A_383 : i32
      %scan3A_385 = arith.constant 1 : i32
      %scan3A_386 = scf.for %scan3A_392 = %scan3A_382 to %scan3A_384 step %scan3A_385 iter_args(%scan3A_393 = %scan3A_357) -> (vector<16xf32>)  : i32 {
        %broadcast_in_dim3A_394 = arith.constant 0.000000e+00 : f32
        %broadcast_in_dim3A_395 = vector.broadcast %broadcast_in_dim3A_394 : f32 to vector<16xf32>
        %mul3A_396 = arith.constant 16 : i32
        %mul3A_397 = arith.muli %scan3A_392, %mul3A_396 : i32
        %add3A_398 = arith.constant 0 : i32
        %add3A_399 = arith.addi %mul3A_397, %add3A_398 : i32
        %broadcast_in_dim3A_400 = arith.constant 0.000000e+00 : f32
        %broadcast_in_dim3A_401 = vector.broadcast %broadcast_in_dim3A_400 : f32 to vector<16xf32>
        %get3A_402 = arith.index_cast %rem3A_358 : i32 to index
        %get3A_403 = arith.index_cast %add3A_399 : i32 to index
        %get3A_404 = arith.constant 0 : index
        %get3A_405 = tpu.vector_load %arg11[%get3A_402, %get3A_403, %get3A_404] {strides = array<i32>} : memref<2x128x64xbf16, #tpu.memory_space<vmem>>, vector<32xbf16>,
        %get3A_406 = arith.index_cast %rem3A_358 : i32 to index
        %get3A_407 = arith.index_cast %add3A_399 : i32 to index
        %get3A_408 = arith.constant 0 : index
        %get3A_409 = tpu.vector_load %arg12[%get3A_406, %get3A_407, %get3A_408] {strides = array<i32>} : memref<2x128x64xbf16, #tpu.memory_space<vmem>>, vector<32xbf16>,
        %sub3A = arith.subf %get3A_405, %get3A_409 : vector<32xbf16>
        %unpack3A = tpu.unpack_subelements %sub3A, 0 {pack_format = #tpu.pack_format<interleaved>} : vector<32xbf16> -> vector<16xf32>
        %unpack3A_410 = tpu.unpack_subelements %sub3A, 1 {pack_format = #tpu.pack_format<interleaved>} : vector<32xbf16> -> vector<16xf32>
        %mul3A_411 = arith.mulf %unpack3A, %unpack3A : vector<16xf32>
        %add3A_412 = arith.addf %broadcast_in_dim3A_401, %mul3A_411 : vector<16xf32>
        %mul3A_413 = arith.mulf %unpack3A_410, %unpack3A_410 : vector<16xf32>
        %add3A_414 = arith.addf %add3A_412, %mul3A_413 : vector<16xf32>
        %get3A_415 = arith.index_cast %rem3A_358 : i32 to index
        %get3A_416 = arith.index_cast %add3A_399 : i32 to index
        %get3A_417 = arith.constant 32 : index
        %get3A_418 = tpu.vector_load %arg11[%get3A_415, %get3A_416, %get3A_417] {strides = array<i32>} : memref<2x128x64xbf16, #tpu.memory_space<vmem>>, vector<32xbf16>,
        %get3A_419 = arith.index_cast %rem3A_358 : i32 to index
        %get3A_420 = arith.index_cast %add3A_399 : i32 to index
        %get3A_421 = arith.constant 32 : index
        %get3A_422 = tpu.vector_load %arg12[%get3A_419, %get3A_420, %get3A_421] {strides = array<i32>} : memref<2x128x64xbf16, #tpu.memory_space<vmem>>, vector<32xbf16>,
        %sub3A_423 = arith.subf %get3A_418, %get3A_422 : vector<32xbf16>
        %unpack3A_424 = tpu.unpack_subelements %sub3A_423, 0 {pack_format = #tpu.pack_format<interleaved>} : vector<32xbf16> -> vector<16xf32>
        %unpack3A_425 = tpu.unpack_subelements %sub3A_423, 1 {pack_format = #tpu.pack_format<interleaved>} : vector<32xbf16> -> vector<16xf32>
        %mul3A_426 = arith.mulf %unpack3A_424, %unpack3A_424 : vector<16xf32>
        %add3A_427 = arith.addf %add3A_414, %mul3A_426 : vector<16xf32>
        %mul3A_428 = arith.mulf %unpack3A_425, %unpack3A_425 : vector<16xf32>
        %add3A_429 = arith.addf %add3A_427, %mul3A_428 : vector<16xf32>
        %eq3A = arith.constant 0 : i32
        %eq3A_430 = vector.broadcast %eq3A : i32 to vector<16xi32>
        %eq3A_431 = arith.cmpi eq, %iota3A, %eq3A_430 : vector<16xi32>
        %reduce_sum3A = arith.constant true
        %reduce_sum3A_432 = vector.broadcast %reduce_sum3A : i1 to vector<16xi1>
        %reduce_sum3A_433 = tpu.scan <sum>, %add3A_429 masked %reduce_sum3A_432 : vector<16xf32>, vector<16xi1> -> vector<16xf32>
        %reduce_sum3A_434 = vector.extract %reduce_sum3A_433[15] : f32 from vector<16xf32>
        %broadcast_in_dim3A_435 = vector.broadcast %reduce_sum3A_434 : f32 to vector<16xf32>
        %select_n3A = arith.select %eq3A_431, %broadcast_in_dim3A_435, %broadcast_in_dim3A_395 : vector<16xi1>, vector<16xf32>
        %mul3A_436 = arith.constant 16 : i32
        %mul3A_437 = arith.muli %scan3A_392, %mul3A_436 : i32
        %add3A_438 = arith.constant 1 : i32
        %add3A_439 = arith.addi %mul3A_437, %add3A_438 : i32
        %broadcast_in_dim3A_440 = arith.constant 0.000000e+00 : f32
        %broadcast_in_dim3A_441 = vector.broadcast %broadcast_in_dim3A_440 : f32 to vector<16xf32>
        %get3A_442 = arith.index_cast %rem3A_358 : i32 to index
        %get3A_443 = arith.index_cast %add3A_439 : i32 to index
        %get3A_444 = arith.constant 0 : index
        %get3A_445 = tpu.vector_load %arg11[%get3A_442, %get3A_443, %get3A_444] {strides = array<i32>} : memref<2x128x64xbf16, #tpu.memory_space<vmem>>, vector<32xbf16>,
        %get3A_446 = arith.index_cast %rem3A_358 : i32 to index
        %get3A_447 = arith.index_cast %add3A_439 : i32 to index
        %get3A_448 = arith.constant 0 : index
        %get3A_449 = tpu.vector_load %arg12[%get3A_446, %get3A_447, %get3A_448] {strides = array<i32>} : memref<2x128x64xbf16, #tpu.memory_space<vmem>>, vector<32xbf16>,
        %sub3A_450 = arith.subf %get3A_445, %get3A_449 : vector<32xbf16>
        %unpack3A_451 = tpu.unpack_subelements %sub3A_450, 0 {pack_format = #tpu.pack_format<interleaved>} : vector<32xbf16> -> vector<16xf32>
        %unpack3A_452 = tpu.unpack_subelements %sub3A_450, 1 {pack_format = #tpu.pack_format<interleaved>} : vector<32xbf16> -> vector<16xf32>
        %mul3A_453 = arith.mulf %unpack3A_451, %unpack3A_451 : vector<16xf32>
        %add3A_454 = arith.addf %broadcast_in_dim3A_441, %mul3A_453 : vector<16xf32>
        %mul3A_455 = arith.mulf %unpack3A_452, %unpack3A_452 : vector<16xf32>
        %add3A_456 = arith.addf %add3A_454, %mul3A_455 : vector<16xf32>
        %get3A_457 = arith.index_cast %rem3A_358 : i32 to index
        %get3A_458 = arith.index_cast %add3A_439 : i32 to index
        %get3A_459 = arith.constant 32 : index
        %get3A_460 = tpu.vector_load %arg11[%get3A_457, %get3A_458, %get3A_459] {strides = array<i32>} : memref<2x128x64xbf16, #tpu.memory_space<vmem>>, vector<32xbf16>,
        %get3A_461 = arith.index_cast %rem3A_358 : i32 to index
        %get3A_462 = arith.index_cast %add3A_439 : i32 to index
        %get3A_463 = arith.constant 32 : index
        %get3A_464 = tpu.vector_load %arg12[%get3A_461, %get3A_462, %get3A_463] {strides = array<i32>} : memref<2x128x64xbf16, #tpu.memory_space<vmem>>, vector<32xbf16>,
        %sub3A_465 = arith.subf %get3A_460, %get3A_464 : vector<32xbf16>
        %unpack3A_466 = tpu.unpack_subelements %sub3A_465, 0 {pack_format = #tpu.pack_format<interleaved>} : vector<32xbf16> -> vector<16xf32>
        %unpack3A_467 = tpu.unpack_subelements %sub3A_465, 1 {pack_format = #tpu.pack_format<interleaved>} : vector<32xbf16> -> vector<16xf32>
        %mul3A_468 = arith.mulf %unpack3A_466, %unpack3A_466 : vector<16xf32>
        %add3A_469 = arith.addf %add3A_456, %mul3A_468 : vector<16xf32>
        %mul3A_470 = arith.mulf %unpack3A_467, %unpack3A_467 : vector<16xf32>
        %add3A_471 = arith.addf %add3A_469, %mul3A_470 : vector<16xf32>
        %eq3A_472 = arith.constant 1 : i32
        %eq3A_473 = vector.broadcast %eq3A_472 : i32 to vector<16xi32>
        %eq3A_474 = arith.cmpi eq, %iota3A, %eq3A_473 : vector<16xi32>
        %reduce_sum3A_475 = arith.constant true
        %reduce_sum3A_476 = vector.broadcast %reduce_sum3A_475 : i1 to vector<16xi1>
        %reduce_sum3A_477 = tpu.scan <sum>, %add3A_471 masked %reduce_sum3A_476 : vector<16xf32>, vector<16xi1> -> vector<16xf32>
        %reduce_sum3A_478 = vector.extract %reduce_sum3A_477[15] : f32 from vector<16xf32>
        %broadcast_in_dim3A_479 = vector.broadcast %reduce_sum3A_478 : f32 to vector<16xf32>
        %select_n3A_480 = arith.select %eq3A_474, %broadcast_in_dim3A_479, %select_n3A : vector<16xi1>, vector<16xf32>
        %mul3A_481 = arith.constant 16 : i32
        %mul3A_482 = arith.muli %scan3A_392, %mul3A_481 : i32
        %add3A_483 = arith.constant 2 : i32
        %add3A_484 = arith.addi %mul3A_482, %add3A_483 : i32
        %broadcast_in_dim3A_485 = arith.constant 0.000000e+00 : f32
        %broadcast_in_dim3A_486 = vector.broadcast %broadcast_in_dim3A_485 : f32 to vector<16xf32>
        %get3A_487 = arith.index_cast %rem3A_358 : i32 to index
        %get3A_488 = arith.index_cast %add3A_484 : i32 to index
        %get3A_489 = arith.constant 0 : index
        %get3A_490 = tpu.vector_load %arg11[%get3A_487, %get3A_488, %get3A_489] {strides = array<i32>} : memref<2x128x64xbf16, #tpu.memory_space<vmem>>, vector<32xbf16>,
        %get3A_491 = arith.index_cast %rem3A_358 : i32 to index
        %get3A_492 = arith.index_cast %add3A_484 : i32 to index
        %get3A_493 = arith.constant 0 : index
        %get3A_494 = tpu.vector_load %arg12[%get3A_491, %get3A_492, %get3A_493] {strides = array<i32>} : memref<2x128x64xbf16, #tpu.memory_space<vmem>>, vector<32xbf16>,
        %sub3A_495 = arith.subf %get3A_490, %get3A_494 : vector<32xbf16>
        %unpack3A_496 = tpu.unpack_subelements %sub3A_495, 0 {pack_format = #tpu.pack_format<interleaved>} : vector<32xbf16> -> vector<16xf32>
        %unpack3A_497 = tpu.unpack_subelements %sub3A_495, 1 {pack_format = #tpu.pack_format<interleaved>} : vector<32xbf16> -> vector<16xf32>
        %mul3A_498 = arith.mulf %unpack3A_496, %unpack3A_496 : vector<16xf32>
        %add3A_499 = arith.addf %broadcast_in_dim3A_486, %mul3A_498 : vector<16xf32>
        %mul3A_500 = arith.mulf %unpack3A_497, %unpack3A_497 : vector<16xf32>
        %add3A_501 = arith.addf %add3A_499, %mul3A_500 : vector<16xf32>
        %get3A_502 = arith.index_cast %rem3A_358 : i32 to index
        %get3A_503 = arith.index_cast %add3A_484 : i32 to index
        %get3A_504 = arith.constant 32 : index
        %get3A_505 = tpu.vector_load %arg11[%get3A_502, %get3A_503, %get3A_504] {strides = array<i32>} : memref<2x128x64xbf16, #tpu.memory_space<vmem>>, vector<32xbf16>,
        %get3A_506 = arith.index_cast %rem3A_358 : i32 to index
        %get3A_507 = arith.index_cast %add3A_484 : i32 to index
        %get3A_508 = arith.constant 32 : index
        %get3A_509 = tpu.vector_load %arg12[%get3A_506, %get3A_507, %get3A_508] {strides = array<i32>} : memref<2x128x64xbf16, #tpu.memory_space<vmem>>, vector<32xbf16>,
        %sub3A_510 = arith.subf %get3A_505, %get3A_509 : vector<32xbf16>
        %unpack3A_511 = tpu.unpack_subelements %sub3A_510, 0 {pack_format = #tpu.pack_format<interleaved>} : vector<32xbf16> -> vector<16xf32>
        %unpack3A_512 = tpu.unpack_subelements %sub3A_510, 1 {pack_format = #tpu.pack_format<interleaved>} : vector<32xbf16> -> vector<16xf32>
        %mul3A_513 = arith.mulf %unpack3A_511, %unpack3A_511 : vector<16xf32>
        %add3A_514 = arith.addf %add3A_501, %mul3A_513 : vector<16xf32>
        %mul3A_515 = arith.mulf %unpack3A_512, %unpack3A_512 : vector<16xf32>
        %add3A_516 = arith.addf %add3A_514, %mul3A_515 : vector<16xf32>
        %eq3A_517 = arith.constant 2 : i32
        %eq3A_518 = vector.broadcast %eq3A_517 : i32 to vector<16xi32>
        %eq3A_519 = arith.cmpi eq, %iota3A, %eq3A_518 : vector<16xi32>
        %reduce_sum3A_520 = arith.constant true
        %reduce_sum3A_521 = vector.broadcast %reduce_sum3A_520 : i1 to vector<16xi1>
        %reduce_sum3A_522 = tpu.scan <sum>, %add3A_516 masked %reduce_sum3A_521 : vector<16xf32>, vector<16xi1> -> vector<16xf32>
        %reduce_sum3A_523 = vector.extract %reduce_sum3A_522[15] : f32 from vector<16xf32>
        %broadcast_in_dim3A_524 = vector.broadcast %reduce_sum3A_523 : f32 to vector<16xf32>
        %select_n3A_525 = arith.select %eq3A_519, %broadcast_in_dim3A_524, %select_n3A_480 : vector<16xi1>, vector<16xf32>
        %mul3A_526 = arith.constant 16 : i32
        %mul3A_527 = arith.muli %scan3A_392, %mul3A_526 : i32
        %add3A_528 = arith.constant 3 : i32
        %add3A_529 = arith.addi %mul3A_527, %add3A_528 : i32
        %broadcast_in_dim3A_530 = arith.constant 0.000000e+00 : f32
        %broadcast_in_dim3A_531 = vector.broadcast %broadcast_in_dim3A_530 : f32 to vector<16xf32>
        %get3A_532 = arith.index_cast %rem3A_358 : i32 to index
        %get3A_533 = arith.index_cast %add3A_529 : i32 to index
        %get3A_534 = arith.constant 0 : index
        %get3A_535 = tpu.vector_load %arg11[%get3A_532, %get3A_533, %get3A_534] {strides = array<i32>} : memref<2x128x64xbf16, #tpu.memory_space<vmem>>, vector<32xbf16>,
        %get3A_536 = arith.index_cast %rem3A_358 : i32 to index
        %get3A_537 = arith.index_cast %add3A_529 : i32 to index
        %get3A_538 = arith.constant 0 : index
        %get3A_539 = tpu.vector_load %arg12[%get3A_536, %get3A_537, %get3A_538] {strides = array<i32>} : memref<2x128x64xbf16, #tpu.memory_space<vmem>>, vector<32xbf16>,
        %sub3A_540 = arith.subf %get3A_535, %get3A_539 : vector<32xbf16>
        %unpack3A_541 = tpu.unpack_subelements %sub3A_540, 0 {pack_format = #tpu.pack_format<interleaved>} : vector<32xbf16> -> vector<16xf32>
        %unpack3A_542 = tpu.unpack_subelements %sub3A_540, 1 {pack_format = #tpu.pack_format<interleaved>} : vector<32xbf16> -> vector<16xf32>
        %mul3A_543 = arith.mulf %unpack3A_541, %unpack3A_541 : vector<16xf32>
        %add3A_544 = arith.addf %broadcast_in_dim3A_531, %mul3A_543 : vector<16xf32>
        %mul3A_545 = arith.mulf %unpack3A_542, %unpack3A_542 : vector<16xf32>
        %add3A_546 = arith.addf %add3A_544, %mul3A_545 : vector<16xf32>
        %get3A_547 = arith.index_cast %rem3A_358 : i32 to index
        %get3A_548 = arith.index_cast %add3A_529 : i32 to index
        %get3A_549 = arith.constant 32 : index
        %get3A_550 = tpu.vector_load %arg11[%get3A_547, %get3A_548, %get3A_549] {strides = array<i32>} : memref<2x128x64xbf16, #tpu.memory_space<vmem>>, vector<32xbf16>,
        %get3A_551 = arith.index_cast %rem3A_358 : i32 to index
        %get3A_552 = arith.index_cast %add3A_529 : i32 to index
        %get3A_553 = arith.constant 32 : index
        %get3A_554 = tpu.vector_load %arg12[%get3A_551, %get3A_552, %get3A_553] {strides = array<i32>} : memref<2x128x64xbf16, #tpu.memory_space<vmem>>, vector<32xbf16>,
        %sub3A_555 = arith.subf %get3A_550, %get3A_554 : vector<32xbf16>
        %unpack3A_556 = tpu.unpack_subelements %sub3A_555, 0 {pack_format = #tpu.pack_format<interleaved>} : vector<32xbf16> -> vector<16xf32>
        %unpack3A_557 = tpu.unpack_subelements %sub3A_555, 1 {pack_format = #tpu.pack_format<interleaved>} : vector<32xbf16> -> vector<16xf32>
        %mul3A_558 = arith.mulf %unpack3A_556, %unpack3A_556 : vector<16xf32>
        %add3A_559 = arith.addf %add3A_546, %mul3A_558 : vector<16xf32>
        %mul3A_560 = arith.mulf %unpack3A_557, %unpack3A_557 : vector<16xf32>
        %add3A_561 = arith.addf %add3A_559, %mul3A_560 : vector<16xf32>
        %eq3A_562 = arith.constant 3 : i32
        %eq3A_563 = vector.broadcast %eq3A_562 : i32 to vector<16xi32>
        %eq3A_564 = arith.cmpi eq, %iota3A, %eq3A_563 : vector<16xi32>
        %reduce_sum3A_565 = arith.constant true
        %reduce_sum3A_566 = vector.broadcast %reduce_sum3A_565 : i1 to vector<16xi1>
        %reduce_sum3A_567 = tpu.scan <sum>, %add3A_561 masked %reduce_sum3A_566 : vector<16xf32>, vector<16xi1> -> vector<16xf32>
        %reduce_sum3A_568 = vector.extract %reduce_sum3A_567[15] : f32 from vector<16xf32>
        %broadcast_in_dim3A_569 = vector.broadcast %reduce_sum3A_568 : f32 to vector<16xf32>
        %select_n3A_570 = arith.select %eq3A_564, %broadcast_in_dim3A_569, %select_n3A_525 : vector<16xi1>, vector<16xf32>
        %mul3A_571 = arith.constant 16 : i32
        %mul3A_572 = arith.muli %scan3A_392, %mul3A_571 : i32
        %add3A_573 = arith.constant 4 : i32
        %add3A_574 = arith.addi %mul3A_572, %add3A_573 : i32
        %broadcast_in_dim3A_575 = arith.constant 0.000000e+00 : f32
        %broadcast_in_dim3A_576 = vector.broadcast %broadcast_in_dim3A_575 : f32 to vector<16xf32>
        %get3A_577 = arith.index_cast %rem3A_358 : i32 to index
        %get3A_578 = arith.index_cast %add3A_574 : i32 to index
        %get3A_579 = arith.constant 0 : index
        %get3A_580 = tpu.vector_load %arg11[%get3A_577, %get3A_578, %get3A_579] {strides = array<i32>} : memref<2x128x64xbf16, #tpu.memory_space<vmem>>, vector<32xbf16>,
        %get3A_581 = arith.index_cast %rem3A_358 : i32 to index
        %get3A_582 = arith.index_cast %add3A_574 : i32 to index
        %get3A_583 = arith.constant 0 : index
        %get3A_584 = tpu.vector_load %arg12[%get3A_581, %get3A_582, %get3A_583] {strides = array<i32>} : memref<2x128x64xbf16, #tpu.memory_space<vmem>>, vector<32xbf16>,
        %sub3A_585 = arith.subf %get3A_580, %get3A_584 : vector<32xbf16>
        %unpack3A_586 = tpu.unpack_subelements %sub3A_585, 0 {pack_format = #tpu.pack_format<interleaved>} : vector<32xbf16> -> vector<16xf32>
        %unpack3A_587 = tpu.unpack_subelements %sub3A_585, 1 {pack_format = #tpu.pack_format<interleaved>} : vector<32xbf16> -> vector<16xf32>
        %mul3A_588 = arith.mulf %unpack3A_586, %unpack3A_586 : vector<16xf32>
        %add3A_589 = arith.addf %broadcast_in_dim3A_576, %mul3A_588 : vector<16xf32>
        %mul3A_590 = arith.mulf %unpack3A_587, %unpack3A_587 : vector<16xf32>
        %add3A_591 = arith.addf %add3A_589, %mul3A_590 : vector<16xf32>
        %get3A_592 = arith.index_cast %rem3A_358 : i32 to index
        %get3A_593 = arith.index_cast %add3A_574 : i32 to index
        %get3A_594 = arith.constant 32 : index
        %get3A_595 = tpu.vector_load %arg11[%get3A_592, %get3A_593, %get3A_594] {strides = array<i32>} : memref<2x128x64xbf16, #tpu.memory_space<vmem>>, vector<32xbf16>,
        %get3A_596 = arith.index_cast %rem3A_358 : i32 to index
        %get3A_597 = arith.index_cast %add3A_574 : i32 to index
        %get3A_598 = arith.constant 32 : index
        %get3A_599 = tpu.vector_load %arg12[%get3A_596, %get3A_597, %get3A_598] {strides = array<i32>} : memref<2x128x64xbf16, #tpu.memory_space<vmem>>, vector<32xbf16>,
        %sub3A_600 = arith.subf %get3A_595, %get3A_599 : vector<32xbf16>
        %unpack3A_601 = tpu.unpack_subelements %sub3A_600, 0 {pack_format = #tpu.pack_format<interleaved>} : vector<32xbf16> -> vector<16xf32>
        %unpack3A_602 = tpu.unpack_subelements %sub3A_600, 1 {pack_format = #tpu.pack_format<interleaved>} : vector<32xbf16> -> vector<16xf32>
        %mul3A_603 = arith.mulf %unpack3A_601, %unpack3A_601 : vector<16xf32>
        %add3A_604 = arith.addf %add3A_591, %mul3A_603 : vector<16xf32>
        %mul3A_605 = arith.mulf %unpack3A_602, %unpack3A_602 : vector<16xf32>
        %add3A_606 = arith.addf %add3A_604, %mul3A_605 : vector<16xf32>
        %eq3A_607 = arith.constant 4 : i32
        %eq3A_608 = vector.broadcast %eq3A_607 : i32 to vector<16xi32>
        %eq3A_609 = arith.cmpi eq, %iota3A, %eq3A_608 : vector<16xi32>
        %reduce_sum3A_610 = arith.constant true
        %reduce_sum3A_611 = vector.broadcast %reduce_sum3A_610 : i1 to vector<16xi1>
        %reduce_sum3A_612 = tpu.scan <sum>, %add3A_606 masked %reduce_sum3A_611 : vector<16xf32>, vector<16xi1> -> vector<16xf32>
        %reduce_sum3A_613 = vector.extract %reduce_sum3A_612[15] : f32 from vector<16xf32>
        %broadcast_in_dim3A_614 = vector.broadcast %reduce_sum3A_613 : f32 to vector<16xf32>
        %select_n3A_615 = arith.select %eq3A_609, %broadcast_in_dim3A_614, %select_n3A_570 : vector<16xi1>, vector<16xf32>
        %mul3A_616 = arith.constant 16 : i32
        %mul3A_617 = arith.muli %scan3A_392, %mul3A_616 : i32
        %add3A_618 = arith.constant 5 : i32
        %add3A_619 = arith.addi %mul3A_617, %add3A_618 : i32
        %broadcast_in_dim3A_620 = arith.constant 0.000000e+00 : f32
        %broadcast_in_dim3A_621 = vector.broadcast %broadcast_in_dim3A_620 : f32 to vector<16xf32>
        %get3A_622 = arith.index_cast %rem3A_358 : i32 to index
        %get3A_623 = arith.index_cast %add3A_619 : i32 to index
        %get3A_624 = arith.constant 0 : index
        %get3A_625 = tpu.vector_load %arg11[%get3A_622, %get3A_623, %get3A_624] {strides = array<i32>} : memref<2x128x64xbf16, #tpu.memory_space<vmem>>, vector<32xbf16>,
        %get3A_626 = arith.index_cast %rem3A_358 : i32 to index
        %get3A_627 = arith.index_cast %add3A_619 : i32 to index
        %get3A_628 = arith.constant 0 : index
        %get3A_629 = tpu.vector_load %arg12[%get3A_626, %get3A_627, %get3A_628] {strides = array<i32>} : memref<2x128x64xbf16, #tpu.memory_space<vmem>>, vector<32xbf16>,
        %sub3A_630 = arith.subf %get3A_625, %get3A_629 : vector<32xbf16>
        %unpack3A_631 = tpu.unpack_subelements %sub3A_630, 0 {pack_format = #tpu.pack_format<interleaved>} : vector<32xbf16> -> vector<16xf32>
        %unpack3A_632 = tpu.unpack_subelements %sub3A_630, 1 {pack_format = #tpu.pack_format<interleaved>} : vector<32xbf16> -> vector<16xf32>
        %mul3A_633 = arith.mulf %unpack3A_631, %unpack3A_631 : vector<16xf32>
        %add3A_634 = arith.addf %broadcast_in_dim3A_621, %mul3A_633 : vector<16xf32>
        %mul3A_635 = arith.mulf %unpack3A_632, %unpack3A_632 : vector<16xf32>
        %add3A_636 = arith.addf %add3A_634, %mul3A_635 : vector<16xf32>
        %get3A_637 = arith.index_cast %rem3A_358 : i32 to index
        %get3A_638 = arith.index_cast %add3A_619 : i32 to index
        %get3A_639 = arith.constant 32 : index
        %get3A_640 = tpu.vector_load %arg11[%get3A_637, %get3A_638, %get3A_639] {strides = array<i32>} : memref<2x128x64xbf16, #tpu.memory_space<vmem>>, vector<32xbf16>,
        %get3A_641 = arith.index_cast %rem3A_358 : i32 to index
        %get3A_642 = arith.index_cast %add3A_619 : i32 to index
        %get3A_643 = arith.constant 32 : index
        %get3A_644 = tpu.vector_load %arg12[%get3A_641, %get3A_642, %get3A_643] {strides = array<i32>} : memref<2x128x64xbf16, #tpu.memory_space<vmem>>, vector<32xbf16>,
        %sub3A_645 = arith.subf %get3A_640, %get3A_644 : vector<32xbf16>
        %unpack3A_646 = tpu.unpack_subelements %sub3A_645, 0 {pack_format = #tpu.pack_format<interleaved>} : vector<32xbf16> -> vector<16xf32>
        %unpack3A_647 = tpu.unpack_subelements %sub3A_645, 1 {pack_format = #tpu.pack_format<interleaved>} : vector<32xbf16> -> vector<16xf32>
        %mul3A_648 = arith.mulf %unpack3A_646, %unpack3A_646 : vector<16xf32>
        %add3A_649 = arith.addf %add3A_636, %mul3A_648 : vector<16xf32>
        %mul3A_650 = arith.mulf %unpack3A_647, %unpack3A_647 : vector<16xf32>
        %add3A_651 = arith.addf %add3A_649, %mul3A_650 : vector<16xf32>
        %eq3A_652 = arith.constant 5 : i32
        %eq3A_653 = vector.broadcast %eq3A_652 : i32 to vector<16xi32>
        %eq3A_654 = arith.cmpi eq, %iota3A, %eq3A_653 : vector<16xi32>
        %reduce_sum3A_655 = arith.constant true
        %reduce_sum3A_656 = vector.broadcast %reduce_sum3A_655 : i1 to vector<16xi1>
        %reduce_sum3A_657 = tpu.scan <sum>, %add3A_651 masked %reduce_sum3A_656 : vector<16xf32>, vector<16xi1> -> vector<16xf32>
        %reduce_sum3A_658 = vector.extract %reduce_sum3A_657[15] : f32 from vector<16xf32>
        %broadcast_in_dim3A_659 = vector.broadcast %reduce_sum3A_658 : f32 to vector<16xf32>
        %select_n3A_660 = arith.select %eq3A_654, %broadcast_in_dim3A_659, %select_n3A_615 : vector<16xi1>, vector<16xf32>
        %mul3A_661 = arith.constant 16 : i32
        %mul3A_662 = arith.muli %scan3A_392, %mul3A_661 : i32
        %add3A_663 = arith.constant 6 : i32
        %add3A_664 = arith.addi %mul3A_662, %add3A_663 : i32
        %broadcast_in_dim3A_665 = arith.constant 0.000000e+00 : f32
        %broadcast_in_dim3A_666 = vector.broadcast %broadcast_in_dim3A_665 : f32 to vector<16xf32>
        %get3A_667 = arith.index_cast %rem3A_358 : i32 to index
        %get3A_668 = arith.index_cast %add3A_664 : i32 to index
        %get3A_669 = arith.constant 0 : index
        %get3A_670 = tpu.vector_load %arg11[%get3A_667, %get3A_668, %get3A_669] {strides = array<i32>} : memref<2x128x64xbf16, #tpu.memory_space<vmem>>, vector<32xbf16>,
        %get3A_671 = arith.index_cast %rem3A_358 : i32 to index
        %get3A_672 = arith.index_cast %add3A_664 : i32 to index
        %get3A_673 = arith.constant 0 : index
        %get3A_674 = tpu.vector_load %arg12[%get3A_671, %get3A_672, %get3A_673] {strides = array<i32>} : memref<2x128x64xbf16, #tpu.memory_space<vmem>>, vector<32xbf16>,
        %sub3A_675 = arith.subf %get3A_670, %get3A_674 : vector<32xbf16>
        %unpack3A_676 = tpu.unpack_subelements %sub3A_675, 0 {pack_format = #tpu.pack_format<interleaved>} : vector<32xbf16> -> vector<16xf32>
        %unpack3A_677 = tpu.unpack_subelements %sub3A_675, 1 {pack_format = #tpu.pack_format<interleaved>} : vector<32xbf16> -> vector<16xf32>
        %mul3A_678 = arith.mulf %unpack3A_676, %unpack3A_676 : vector<16xf32>
        %add3A_679 = arith.addf %broadcast_in_dim3A_666, %mul3A_678 : vector<16xf32>
        %mul3A_680 = arith.mulf %unpack3A_677, %unpack3A_677 : vector<16xf32>
        %add3A_681 = arith.addf %add3A_679, %mul3A_680 : vector<16xf32>
        %get3A_682 = arith.index_cast %rem3A_358 : i32 to index
        %get3A_683 = arith.index_cast %add3A_664 : i32 to index
        %get3A_684 = arith.constant 32 : index
        %get3A_685 = tpu.vector_load %arg11[%get3A_682, %get3A_683, %get3A_684] {strides = array<i32>} : memref<2x128x64xbf16, #tpu.memory_space<vmem>>, vector<32xbf16>,
        %get3A_686 = arith.index_cast %rem3A_358 : i32 to index
        %get3A_687 = arith.index_cast %add3A_664 : i32 to index
        %get3A_688 = arith.constant 32 : index
        %get3A_689 = tpu.vector_load %arg12[%get3A_686, %get3A_687, %get3A_688] {strides = array<i32>} : memref<2x128x64xbf16, #tpu.memory_space<vmem>>, vector<32xbf16>,
        %sub3A_690 = arith.subf %get3A_685, %get3A_689 : vector<32xbf16>
        %unpack3A_691 = tpu.unpack_subelements %sub3A_690, 0 {pack_format = #tpu.pack_format<interleaved>} : vector<32xbf16> -> vector<16xf32>
        %unpack3A_692 = tpu.unpack_subelements %sub3A_690, 1 {pack_format = #tpu.pack_format<interleaved>} : vector<32xbf16> -> vector<16xf32>
        %mul3A_693 = arith.mulf %unpack3A_691, %unpack3A_691 : vector<16xf32>
        %add3A_694 = arith.addf %add3A_681, %mul3A_693 : vector<16xf32>
        %mul3A_695 = arith.mulf %unpack3A_692, %unpack3A_692 : vector<16xf32>
        %add3A_696 = arith.addf %add3A_694, %mul3A_695 : vector<16xf32>
        %eq3A_697 = arith.constant 6 : i32
        %eq3A_698 = vector.broadcast %eq3A_697 : i32 to vector<16xi32>
        %eq3A_699 = arith.cmpi eq, %iota3A, %eq3A_698 : vector<16xi32>
        %reduce_sum3A_700 = arith.constant true
        %reduce_sum3A_701 = vector.broadcast %reduce_sum3A_700 : i1 to vector<16xi1>
        %reduce_sum3A_702 = tpu.scan <sum>, %add3A_696 masked %reduce_sum3A_701 : vector<16xf32>, vector<16xi1> -> vector<16xf32>
        %reduce_sum3A_703 = vector.extract %reduce_sum3A_702[15] : f32 from vector<16xf32>
        %broadcast_in_dim3A_704 = vector.broadcast %reduce_sum3A_703 : f32 to vector<16xf32>
        %select_n3A_705 = arith.select %eq3A_699, %broadcast_in_dim3A_704, %select_n3A_660 : vector<16xi1>, vector<16xf32>
        %mul3A_706 = arith.constant 16 : i32
        %mul3A_707 = arith.muli %scan3A_392, %mul3A_706 : i32
        %add3A_708 = arith.constant 7 : i32
        %add3A_709 = arith.addi %mul3A_707, %add3A_708 : i32
        %broadcast_in_dim3A_710 = arith.constant 0.000000e+00 : f32
        %broadcast_in_dim3A_711 = vector.broadcast %broadcast_in_dim3A_710 : f32 to vector<16xf32>
        %get3A_712 = arith.index_cast %rem3A_358 : i32 to index
        %get3A_713 = arith.index_cast %add3A_709 : i32 to index
        %get3A_714 = arith.constant 0 : index
        %get3A_715 = tpu.vector_load %arg11[%get3A_712, %get3A_713, %get3A_714] {strides = array<i32>} : memref<2x128x64xbf16, #tpu.memory_space<vmem>>, vector<32xbf16>,
        %get3A_716 = arith.index_cast %rem3A_358 : i32 to index
        %get3A_717 = arith.index_cast %add3A_709 : i32 to index
        %get3A_718 = arith.constant 0 : index
        %get3A_719 = tpu.vector_load %arg12[%get3A_716, %get3A_717, %get3A_718] {strides = array<i32>} : memref<2x128x64xbf16, #tpu.memory_space<vmem>>, vector<32xbf16>,
        %sub3A_720 = arith.subf %get3A_715, %get3A_719 : vector<32xbf16>
        %unpack3A_721 = tpu.unpack_subelements %sub3A_720, 0 {pack_format = #tpu.pack_format<interleaved>} : vector<32xbf16> -> vector<16xf32>
        %unpack3A_722 = tpu.unpack_subelements %sub3A_720, 1 {pack_format = #tpu.pack_format<interleaved>} : vector<32xbf16> -> vector<16xf32>
        %mul3A_723 = arith.mulf %unpack3A_721, %unpack3A_721 : vector<16xf32>
        %add3A_724 = arith.addf %broadcast_in_dim3A_711, %mul3A_723 : vector<16xf32>
        %mul3A_725 = arith.mulf %unpack3A_722, %unpack3A_722 : vector<16xf32>
        %add3A_726 = arith.addf %add3A_724, %mul3A_725 : vector<16xf32>
        %get3A_727 = arith.index_cast %rem3A_358 : i32 to index
        %get3A_728 = arith.index_cast %add3A_709 : i32 to index
        %get3A_729 = arith.constant 32 : index
        %get3A_730 = tpu.vector_load %arg11[%get3A_727, %get3A_728, %get3A_729] {strides = array<i32>} : memref<2x128x64xbf16, #tpu.memory_space<vmem>>, vector<32xbf16>,
        %get3A_731 = arith.index_cast %rem3A_358 : i32 to index
        %get3A_732 = arith.index_cast %add3A_709 : i32 to index
        %get3A_733 = arith.constant 32 : index
        %get3A_734 = tpu.vector_load %arg12[%get3A_731, %get3A_732, %get3A_733] {strides = array<i32>} : memref<2x128x64xbf16, #tpu.memory_space<vmem>>, vector<32xbf16>,
        %sub3A_735 = arith.subf %get3A_730, %get3A_734 : vector<32xbf16>
        %unpack3A_736 = tpu.unpack_subelements %sub3A_735, 0 {pack_format = #tpu.pack_format<interleaved>} : vector<32xbf16> -> vector<16xf32>
        %unpack3A_737 = tpu.unpack_subelements %sub3A_735, 1 {pack_format = #tpu.pack_format<interleaved>} : vector<32xbf16> -> vector<16xf32>
        %mul3A_738 = arith.mulf %unpack3A_736, %unpack3A_736 : vector<16xf32>
        %add3A_739 = arith.addf %add3A_726, %mul3A_738 : vector<16xf32>
        %mul3A_740 = arith.mulf %unpack3A_737, %unpack3A_737 : vector<16xf32>
        %add3A_741 = arith.addf %add3A_739, %mul3A_740 : vector<16xf32>
        %eq3A_742 = arith.constant 7 : i32
        %eq3A_743 = vector.broadcast %eq3A_742 : i32 to vector<16xi32>
        %eq3A_744 = arith.cmpi eq, %iota3A, %eq3A_743 : vector<16xi32>
        %reduce_sum3A_745 = arith.constant true
        %reduce_sum3A_746 = vector.broadcast %reduce_sum3A_745 : i1 to vector<16xi1>
        %reduce_sum3A_747 = tpu.scan <sum>, %add3A_741 masked %reduce_sum3A_746 : vector<16xf32>, vector<16xi1> -> vector<16xf32>
        %reduce_sum3A_748 = vector.extract %reduce_sum3A_747[15] : f32 from vector<16xf32>
        %broadcast_in_dim3A_749 = vector.broadcast %reduce_sum3A_748 : f32 to vector<16xf32>
        %select_n3A_750 = arith.select %eq3A_744, %broadcast_in_dim3A_749, %select_n3A_705 : vector<16xi1>, vector<16xf32>
        %mul3A_751 = arith.constant 16 : i32
        %mul3A_752 = arith.muli %scan3A_392, %mul3A_751 : i32
        %add3A_753 = arith.constant 8 : i32
        %add3A_754 = arith.addi %mul3A_752, %add3A_753 : i32
        %broadcast_in_dim3A_755 = arith.constant 0.000000e+00 : f32
        %broadcast_in_dim3A_756 = vector.broadcast %broadcast_in_dim3A_755 : f32 to vector<16xf32>
        %get3A_757 = arith.index_cast %rem3A_358 : i32 to index
        %get3A_758 = arith.index_cast %add3A_754 : i32 to index
        %get3A_759 = arith.constant 0 : index
        %get3A_760 = tpu.vector_load %arg11[%get3A_757, %get3A_758, %get3A_759] {strides = array<i32>} : memref<2x128x64xbf16, #tpu.memory_space<vmem>>, vector<32xbf16>,
        %get3A_761 = arith.index_cast %rem3A_358 : i32 to index
        %get3A_762 = arith.index_cast %add3A_754 : i32 to index
        %get3A_763 = arith.constant 0 : index
        %get3A_764 = tpu.vector_load %arg12[%get3A_761, %get3A_762, %get3A_763] {strides = array<i32>} : memref<2x128x64xbf16, #tpu.memory_space<vmem>>, vector<32xbf16>,
        %sub3A_765 = arith.subf %get3A_760, %get3A_764 : vector<32xbf16>
        %unpack3A_766 = tpu.unpack_subelements %sub3A_765, 0 {pack_format = #tpu.pack_format<interleaved>} : vector<32xbf16> -> vector<16xf32>
        %unpack3A_767 = tpu.unpack_subelements %sub3A_765, 1 {pack_format = #tpu.pack_format<interleaved>} : vector<32xbf16> -> vector<16xf32>
        %mul3A_768 = arith.mulf %unpack3A_766, %unpack3A_766 : vector<16xf32>
        %add3A_769 = arith.addf %broadcast_in_dim3A_756, %mul3A_768 : vector<16xf32>
        %mul3A_770 = arith.mulf %unpack3A_767, %unpack3A_767 : vector<16xf32>
        %add3A_771 = arith.addf %add3A_769, %mul3A_770 : vector<16xf32>
        %get3A_772 = arith.index_cast %rem3A_358 : i32 to index
        %get3A_773 = arith.index_cast %add3A_754 : i32 to index
        %get3A_774 = arith.constant 32 : index
        %get3A_775 = tpu.vector_load %arg11[%get3A_772, %get3A_773, %get3A_774] {strides = array<i32>} : memref<2x128x64xbf16, #tpu.memory_space<vmem>>, vector<32xbf16>,
        %get3A_776 = arith.index_cast %rem3A_358 : i32 to index
        %get3A_777 = arith.index_cast %add3A_754 : i32 to index
        %get3A_778 = arith.constant 32 : index
        %get3A_779 = tpu.vector_load %arg12[%get3A_776, %get3A_777, %get3A_778] {strides = array<i32>} : memref<2x128x64xbf16, #tpu.memory_space<vmem>>, vector<32xbf16>,
        %sub3A_780 = arith.subf %get3A_775, %get3A_779 : vector<32xbf16>
        %unpack3A_781 = tpu.unpack_subelements %sub3A_780, 0 {pack_format = #tpu.pack_format<interleaved>} : vector<32xbf16> -> vector<16xf32>
        %unpack3A_782 = tpu.unpack_subelements %sub3A_780, 1 {pack_format = #tpu.pack_format<interleaved>} : vector<32xbf16> -> vector<16xf32>
        %mul3A_783 = arith.mulf %unpack3A_781, %unpack3A_781 : vector<16xf32>
        %add3A_784 = arith.addf %add3A_771, %mul3A_783 : vector<16xf32>
        %mul3A_785 = arith.mulf %unpack3A_782, %unpack3A_782 : vector<16xf32>
        %add3A_786 = arith.addf %add3A_784, %mul3A_785 : vector<16xf32>
        %eq3A_787 = arith.constant 8 : i32
        %eq3A_788 = vector.broadcast %eq3A_787 : i32 to vector<16xi32>
        %eq3A_789 = arith.cmpi eq, %iota3A, %eq3A_788 : vector<16xi32>
        %reduce_sum3A_790 = arith.constant true
        %reduce_sum3A_791 = vector.broadcast %reduce_sum3A_790 : i1 to vector<16xi1>
        %reduce_sum3A_792 = tpu.scan <sum>, %add3A_786 masked %reduce_sum3A_791 : vector<16xf32>, vector<16xi1> -> vector<16xf32>
        %reduce_sum3A_793 = vector.extract %reduce_sum3A_792[15] : f32 from vector<16xf32>
        %broadcast_in_dim3A_794 = vector.broadcast %reduce_sum3A_793 : f32 to vector<16xf32>
        %select_n3A_795 = arith.select %eq3A_789, %broadcast_in_dim3A_794, %select_n3A_750 : vector<16xi1>, vector<16xf32>
        %mul3A_796 = arith.constant 16 : i32
        %mul3A_797 = arith.muli %scan3A_392, %mul3A_796 : i32
        %add3A_798 = arith.constant 9 : i32
        %add3A_799 = arith.addi %mul3A_797, %add3A_798 : i32
        %broadcast_in_dim3A_800 = arith.constant 0.000000e+00 : f32
        %broadcast_in_dim3A_801 = vector.broadcast %broadcast_in_dim3A_800 : f32 to vector<16xf32>
        %get3A_802 = arith.index_cast %rem3A_358 : i32 to index
        %get3A_803 = arith.index_cast %add3A_799 : i32 to index
        %get3A_804 = arith.constant 0 : index
        %get3A_805 = tpu.vector_load %arg11[%get3A_802, %get3A_803, %get3A_804] {strides = array<i32>} : memref<2x128x64xbf16, #tpu.memory_space<vmem>>, vector<32xbf16>,
        %get3A_806 = arith.index_cast %rem3A_358 : i32 to index
        %get3A_807 = arith.index_cast %add3A_799 : i32 to index
        %get3A_808 = arith.constant 0 : index
        %get3A_809 = tpu.vector_load %arg12[%get3A_806, %get3A_807, %get3A_808] {strides = array<i32>} : memref<2x128x64xbf16, #tpu.memory_space<vmem>>, vector<32xbf16>,
        %sub3A_810 = arith.subf %get3A_805, %get3A_809 : vector<32xbf16>
        %unpack3A_811 = tpu.unpack_subelements %sub3A_810, 0 {pack_format = #tpu.pack_format<interleaved>} : vector<32xbf16> -> vector<16xf32>
        %unpack3A_812 = tpu.unpack_subelements %sub3A_810, 1 {pack_format = #tpu.pack_format<interleaved>} : vector<32xbf16> -> vector<16xf32>
        %mul3A_813 = arith.mulf %unpack3A_811, %unpack3A_811 : vector<16xf32>
        %add3A_814 = arith.addf %broadcast_in_dim3A_801, %mul3A_813 : vector<16xf32>
        %mul3A_815 = arith.mulf %unpack3A_812, %unpack3A_812 : vector<16xf32>
        %add3A_816 = arith.addf %add3A_814, %mul3A_815 : vector<16xf32>
        %get3A_817 = arith.index_cast %rem3A_358 : i32 to index
        %get3A_818 = arith.index_cast %add3A_799 : i32 to index
        %get3A_819 = arith.constant 32 : index
        %get3A_820 = tpu.vector_load %arg11[%get3A_817, %get3A_818, %get3A_819] {strides = array<i32>} : memref<2x128x64xbf16, #tpu.memory_space<vmem>>, vector<32xbf16>,
        %get3A_821 = arith.index_cast %rem3A_358 : i32 to index
        %get3A_822 = arith.index_cast %add3A_799 : i32 to index
        %get3A_823 = arith.constant 32 : index
        %get3A_824 = tpu.vector_load %arg12[%get3A_821, %get3A_822, %get3A_823] {strides = array<i32>} : memref<2x128x64xbf16, #tpu.memory_space<vmem>>, vector<32xbf16>,
        %sub3A_825 = arith.subf %get3A_820, %get3A_824 : vector<32xbf16>
        %unpack3A_826 = tpu.unpack_subelements %sub3A_825, 0 {pack_format = #tpu.pack_format<interleaved>} : vector<32xbf16> -> vector<16xf32>
        %unpack3A_827 = tpu.unpack_subelements %sub3A_825, 1 {pack_format = #tpu.pack_format<interleaved>} : vector<32xbf16> -> vector<16xf32>
        %mul3A_828 = arith.mulf %unpack3A_826, %unpack3A_826 : vector<16xf32>
        %add3A_829 = arith.addf %add3A_816, %mul3A_828 : vector<16xf32>
        %mul3A_830 = arith.mulf %unpack3A_827, %unpack3A_827 : vector<16xf32>
        %add3A_831 = arith.addf %add3A_829, %mul3A_830 : vector<16xf32>
        %eq3A_832 = arith.constant 9 : i32
        %eq3A_833 = vector.broadcast %eq3A_832 : i32 to vector<16xi32>
        %eq3A_834 = arith.cmpi eq, %iota3A, %eq3A_833 : vector<16xi32>
        %reduce_sum3A_835 = arith.constant true
        %reduce_sum3A_836 = vector.broadcast %reduce_sum3A_835 : i1 to vector<16xi1>
        %reduce_sum3A_837 = tpu.scan <sum>, %add3A_831 masked %reduce_sum3A_836 : vector<16xf32>, vector<16xi1> -> vector<16xf32>
        %reduce_sum3A_838 = vector.extract %reduce_sum3A_837[15] : f32 from vector<16xf32>
        %broadcast_in_dim3A_839 = vector.broadcast %reduce_sum3A_838 : f32 to vector<16xf32>
        %select_n3A_840 = arith.select %eq3A_834, %broadcast_in_dim3A_839, %select_n3A_795 : vector<16xi1>, vector<16xf32>
        %mul3A_841 = arith.constant 16 : i32
        %mul3A_842 = arith.muli %scan3A_392, %mul3A_841 : i32
        %add3A_843 = arith.constant 10 : i32
        %add3A_844 = arith.addi %mul3A_842, %add3A_843 : i32
        %broadcast_in_dim3A_845 = arith.constant 0.000000e+00 : f32
        %broadcast_in_dim3A_846 = vector.broadcast %broadcast_in_dim3A_845 : f32 to vector<16xf32>
        %get3A_847 = arith.index_cast %rem3A_358 : i32 to index
        %get3A_848 = arith.index_cast %add3A_844 : i32 to index
        %get3A_849 = arith.constant 0 : index
        %get3A_850 = tpu.vector_load %arg11[%get3A_847, %get3A_848, %get3A_849] {strides = array<i32>} : memref<2x128x64xbf16, #tpu.memory_space<vmem>>, vector<32xbf16>,
        %get3A_851 = arith.index_cast %rem3A_358 : i32 to index
        %get3A_852 = arith.index_cast %add3A_844 : i32 to index
        %get3A_853 = arith.constant 0 : index
        %get3A_854 = tpu.vector_load %arg12[%get3A_851, %get3A_852, %get3A_853] {strides = array<i32>} : memref<2x128x64xbf16, #tpu.memory_space<vmem>>, vector<32xbf16>,
        %sub3A_855 = arith.subf %get3A_850, %get3A_854 : vector<32xbf16>
        %unpack3A_856 = tpu.unpack_subelements %sub3A_855, 0 {pack_format = #tpu.pack_format<interleaved>} : vector<32xbf16> -> vector<16xf32>
        %unpack3A_857 = tpu.unpack_subelements %sub3A_855, 1 {pack_format = #tpu.pack_format<interleaved>} : vector<32xbf16> -> vector<16xf32>
        %mul3A_858 = arith.mulf %unpack3A_856, %unpack3A_856 : vector<16xf32>
        %add3A_859 = arith.addf %broadcast_in_dim3A_846, %mul3A_858 : vector<16xf32>
        %mul3A_860 = arith.mulf %unpack3A_857, %unpack3A_857 : vector<16xf32>
        %add3A_861 = arith.addf %add3A_859, %mul3A_860 : vector<16xf32>
        %get3A_862 = arith.index_cast %rem3A_358 : i32 to index
        %get3A_863 = arith.index_cast %add3A_844 : i32 to index
        %get3A_864 = arith.constant 32 : index
        %get3A_865 = tpu.vector_load %arg11[%get3A_862, %get3A_863, %get3A_864] {strides = array<i32>} : memref<2x128x64xbf16, #tpu.memory_space<vmem>>, vector<32xbf16>,
        %get3A_866 = arith.index_cast %rem3A_358 : i32 to index
        %get3A_867 = arith.index_cast %add3A_844 : i32 to index
        %get3A_868 = arith.constant 32 : index
        %get3A_869 = tpu.vector_load %arg12[%get3A_866, %get3A_867, %get3A_868] {strides = array<i32>} : memref<2x128x64xbf16, #tpu.memory_space<vmem>>, vector<32xbf16>,
        %sub3A_870 = arith.subf %get3A_865, %get3A_869 : vector<32xbf16>
        %unpack3A_871 = tpu.unpack_subelements %sub3A_870, 0 {pack_format = #tpu.pack_format<interleaved>} : vector<32xbf16> -> vector<16xf32>
        %unpack3A_872 = tpu.unpack_subelements %sub3A_870, 1 {pack_format = #tpu.pack_format<interleaved>} : vector<32xbf16> -> vector<16xf32>
        %mul3A_873 = arith.mulf %unpack3A_871, %unpack3A_871 : vector<16xf32>
        %add3A_874 = arith.addf %add3A_861, %mul3A_873 : vector<16xf32>
        %mul3A_875 = arith.mulf %unpack3A_872, %unpack3A_872 : vector<16xf32>
        %add3A_876 = arith.addf %add3A_874, %mul3A_875 : vector<16xf32>
        %eq3A_877 = arith.constant 10 : i32
        %eq3A_878 = vector.broadcast %eq3A_877 : i32 to vector<16xi32>
        %eq3A_879 = arith.cmpi eq, %iota3A, %eq3A_878 : vector<16xi32>
        %reduce_sum3A_880 = arith.constant true
        %reduce_sum3A_881 = vector.broadcast %reduce_sum3A_880 : i1 to vector<16xi1>
        %reduce_sum3A_882 = tpu.scan <sum>, %add3A_876 masked %reduce_sum3A_881 : vector<16xf32>, vector<16xi1> -> vector<16xf32>
        %reduce_sum3A_883 = vector.extract %reduce_sum3A_882[15] : f32 from vector<16xf32>
        %broadcast_in_dim3A_884 = vector.broadcast %reduce_sum3A_883 : f32 to vector<16xf32>
        %select_n3A_885 = arith.select %eq3A_879, %broadcast_in_dim3A_884, %select_n3A_840 : vector<16xi1>, vector<16xf32>
        %mul3A_886 = arith.constant 16 : i32
        %mul3A_887 = arith.muli %scan3A_392, %mul3A_886 : i32
        %add3A_888 = arith.constant 11 : i32
        %add3A_889 = arith.addi %mul3A_887, %add3A_888 : i32
        %broadcast_in_dim3A_890 = arith.constant 0.000000e+00 : f32
        %broadcast_in_dim3A_891 = vector.broadcast %broadcast_in_dim3A_890 : f32 to vector<16xf32>
        %get3A_892 = arith.index_cast %rem3A_358 : i32 to index
        %get3A_893 = arith.index_cast %add3A_889 : i32 to index
        %get3A_894 = arith.constant 0 : index
        %get3A_895 = tpu.vector_load %arg11[%get3A_892, %get3A_893, %get3A_894] {strides = array<i32>} : memref<2x128x64xbf16, #tpu.memory_space<vmem>>, vector<32xbf16>,
        %get3A_896 = arith.index_cast %rem3A_358 : i32 to index
        %get3A_897 = arith.index_cast %add3A_889 : i32 to index
        %get3A_898 = arith.constant 0 : index
        %get3A_899 = tpu.vector_load %arg12[%get3A_896, %get3A_897, %get3A_898] {strides = array<i32>} : memref<2x128x64xbf16, #tpu.memory_space<vmem>>, vector<32xbf16>,
        %sub3A_900 = arith.subf %get3A_895, %get3A_899 : vector<32xbf16>
        %unpack3A_901 = tpu.unpack_subelements %sub3A_900, 0 {pack_format = #tpu.pack_format<interleaved>} : vector<32xbf16> -> vector<16xf32>
        %unpack3A_902 = tpu.unpack_subelements %sub3A_900, 1 {pack_format = #tpu.pack_format<interleaved>} : vector<32xbf16> -> vector<16xf32>
        %mul3A_903 = arith.mulf %unpack3A_901, %unpack3A_901 : vector<16xf32>
        %add3A_904 = arith.addf %broadcast_in_dim3A_891, %mul3A_903 : vector<16xf32>
        %mul3A_905 = arith.mulf %unpack3A_902, %unpack3A_902 : vector<16xf32>
        %add3A_906 = arith.addf %add3A_904, %mul3A_905 : vector<16xf32>
        %get3A_907 = arith.index_cast %rem3A_358 : i32 to index
        %get3A_908 = arith.index_cast %add3A_889 : i32 to index
        %get3A_909 = arith.constant 32 : index
        %get3A_910 = tpu.vector_load %arg11[%get3A_907, %get3A_908, %get3A_909] {strides = array<i32>} : memref<2x128x64xbf16, #tpu.memory_space<vmem>>, vector<32xbf16>,
        %get3A_911 = arith.index_cast %rem3A_358 : i32 to index
        %get3A_912 = arith.index_cast %add3A_889 : i32 to index
        %get3A_913 = arith.constant 32 : index
        %get3A_914 = tpu.vector_load %arg12[%get3A_911, %get3A_912, %get3A_913] {strides = array<i32>} : memref<2x128x64xbf16, #tpu.memory_space<vmem>>, vector<32xbf16>,
        %sub3A_915 = arith.subf %get3A_910, %get3A_914 : vector<32xbf16>
        %unpack3A_916 = tpu.unpack_subelements %sub3A_915, 0 {pack_format = #tpu.pack_format<interleaved>} : vector<32xbf16> -> vector<16xf32>
        %unpack3A_917 = tpu.unpack_subelements %sub3A_915, 1 {pack_format = #tpu.pack_format<interleaved>} : vector<32xbf16> -> vector<16xf32>
        %mul3A_918 = arith.mulf %unpack3A_916, %unpack3A_916 : vector<16xf32>
        %add3A_919 = arith.addf %add3A_906, %mul3A_918 : vector<16xf32>
        %mul3A_920 = arith.mulf %unpack3A_917, %unpack3A_917 : vector<16xf32>
        %add3A_921 = arith.addf %add3A_919, %mul3A_920 : vector<16xf32>
        %eq3A_922 = arith.constant 11 : i32
        %eq3A_923 = vector.broadcast %eq3A_922 : i32 to vector<16xi32>
        %eq3A_924 = arith.cmpi eq, %iota3A, %eq3A_923 : vector<16xi32>
        %reduce_sum3A_925 = arith.constant true
        %reduce_sum3A_926 = vector.broadcast %reduce_sum3A_925 : i1 to vector<16xi1>
        %reduce_sum3A_927 = tpu.scan <sum>, %add3A_921 masked %reduce_sum3A_926 : vector<16xf32>, vector<16xi1> -> vector<16xf32>
        %reduce_sum3A_928 = vector.extract %reduce_sum3A_927[15] : f32 from vector<16xf32>
        %broadcast_in_dim3A_929 = vector.broadcast %reduce_sum3A_928 : f32 to vector<16xf32>
        %select_n3A_930 = arith.select %eq3A_924, %broadcast_in_dim3A_929, %select_n3A_885 : vector<16xi1>, vector<16xf32>
        %mul3A_931 = arith.constant 16 : i32
        %mul3A_932 = arith.muli %scan3A_392, %mul3A_931 : i32
        %add3A_933 = arith.constant 12 : i32
        %add3A_934 = arith.addi %mul3A_932, %add3A_933 : i32
        %broadcast_in_dim3A_935 = arith.constant 0.000000e+00 : f32
        %broadcast_in_dim3A_936 = vector.broadcast %broadcast_in_dim3A_935 : f32 to vector<16xf32>
        %get3A_937 = arith.index_cast %rem3A_358 : i32 to index
        %get3A_938 = arith.index_cast %add3A_934 : i32 to index
        %get3A_939 = arith.constant 0 : index
        %get3A_940 = tpu.vector_load %arg11[%get3A_937, %get3A_938, %get3A_939] {strides = array<i32>} : memref<2x128x64xbf16, #tpu.memory_space<vmem>>, vector<32xbf16>,
        %get3A_941 = arith.index_cast %rem3A_358 : i32 to index
        %get3A_942 = arith.index_cast %add3A_934 : i32 to index
        %get3A_943 = arith.constant 0 : index
        %get3A_944 = tpu.vector_load %arg12[%get3A_941, %get3A_942, %get3A_943] {strides = array<i32>} : memref<2x128x64xbf16, #tpu.memory_space<vmem>>, vector<32xbf16>,
        %sub3A_945 = arith.subf %get3A_940, %get3A_944 : vector<32xbf16>
        %unpack3A_946 = tpu.unpack_subelements %sub3A_945, 0 {pack_format = #tpu.pack_format<interleaved>} : vector<32xbf16> -> vector<16xf32>
        %unpack3A_947 = tpu.unpack_subelements %sub3A_945, 1 {pack_format = #tpu.pack_format<interleaved>} : vector<32xbf16> -> vector<16xf32>
        %mul3A_948 = arith.mulf %unpack3A_946, %unpack3A_946 : vector<16xf32>
        %add3A_949 = arith.addf %broadcast_in_dim3A_936, %mul3A_948 : vector<16xf32>
        %mul3A_950 = arith.mulf %unpack3A_947, %unpack3A_947 : vector<16xf32>
        %add3A_951 = arith.addf %add3A_949, %mul3A_950 : vector<16xf32>
        %get3A_952 = arith.index_cast %rem3A_358 : i32 to index
        %get3A_953 = arith.index_cast %add3A_934 : i32 to index
        %get3A_954 = arith.constant 32 : index
        %get3A_955 = tpu.vector_load %arg11[%get3A_952, %get3A_953, %get3A_954] {strides = array<i32>} : memref<2x128x64xbf16, #tpu.memory_space<vmem>>, vector<32xbf16>,
        %get3A_956 = arith.index_cast %rem3A_358 : i32 to index
        %get3A_957 = arith.index_cast %add3A_934 : i32 to index
        %get3A_958 = arith.constant 32 : index
        %get3A_959 = tpu.vector_load %arg12[%get3A_956, %get3A_957, %get3A_958] {strides = array<i32>} : memref<2x128x64xbf16, #tpu.memory_space<vmem>>, vector<32xbf16>,
        %sub3A_960 = arith.subf %get3A_955, %get3A_959 : vector<32xbf16>
        %unpack3A_961 = tpu.unpack_subelements %sub3A_960, 0 {pack_format = #tpu.pack_format<interleaved>} : vector<32xbf16> -> vector<16xf32>
        %unpack3A_962 = tpu.unpack_subelements %sub3A_960, 1 {pack_format = #tpu.pack_format<interleaved>} : vector<32xbf16> -> vector<16xf32>
        %mul3A_963 = arith.mulf %unpack3A_961, %unpack3A_961 : vector<16xf32>
        %add3A_964 = arith.addf %add3A_951, %mul3A_963 : vector<16xf32>
        %mul3A_965 = arith.mulf %unpack3A_962, %unpack3A_962 : vector<16xf32>
        %add3A_966 = arith.addf %add3A_964, %mul3A_965 : vector<16xf32>
        %eq3A_967 = arith.constant 12 : i32
        %eq3A_968 = vector.broadcast %eq3A_967 : i32 to vector<16xi32>
        %eq3A_969 = arith.cmpi eq, %iota3A, %eq3A_968 : vector<16xi32>
        %reduce_sum3A_970 = arith.constant true
        %reduce_sum3A_971 = vector.broadcast %reduce_sum3A_970 : i1 to vector<16xi1>
        %reduce_sum3A_972 = tpu.scan <sum>, %add3A_966 masked %reduce_sum3A_971 : vector<16xf32>, vector<16xi1> -> vector<16xf32>
        %reduce_sum3A_973 = vector.extract %reduce_sum3A_972[15] : f32 from vector<16xf32>
        %broadcast_in_dim3A_974 = vector.broadcast %reduce_sum3A_973 : f32 to vector<16xf32>
        %select_n3A_975 = arith.select %eq3A_969, %broadcast_in_dim3A_974, %select_n3A_930 : vector<16xi1>, vector<16xf32>
        %mul3A_976 = arith.constant 16 : i32
        %mul3A_977 = arith.muli %scan3A_392, %mul3A_976 : i32
        %add3A_978 = arith.constant 13 : i32
        %add3A_979 = arith.addi %mul3A_977, %add3A_978 : i32
        %broadcast_in_dim3A_980 = arith.constant 0.000000e+00 : f32
        %broadcast_in_dim3A_981 = vector.broadcast %broadcast_in_dim3A_980 : f32 to vector<16xf32>
        %get3A_982 = arith.index_cast %rem3A_358 : i32 to index
        %get3A_983 = arith.index_cast %add3A_979 : i32 to index
        %get3A_984 = arith.constant 0 : index
        %get3A_985 = tpu.vector_load %arg11[%get3A_982, %get3A_983, %get3A_984] {strides = array<i32>} : memref<2x128x64xbf16, #tpu.memory_space<vmem>>, vector<32xbf16>,
        %get3A_986 = arith.index_cast %rem3A_358 : i32 to index
        %get3A_987 = arith.index_cast %add3A_979 : i32 to index
        %get3A_988 = arith.constant 0 : index
        %get3A_989 = tpu.vector_load %arg12[%get3A_986, %get3A_987, %get3A_988] {strides = array<i32>} : memref<2x128x64xbf16, #tpu.memory_space<vmem>>, vector<32xbf16>,
        %sub3A_990 = arith.subf %get3A_985, %get3A_989 : vector<32xbf16>
        %unpack3A_991 = tpu.unpack_subelements %sub3A_990, 0 {pack_format = #tpu.pack_format<interleaved>} : vector<32xbf16> -> vector<16xf32>
        %unpack3A_992 = tpu.unpack_subelements %sub3A_990, 1 {pack_format = #tpu.pack_format<interleaved>} : vector<32xbf16> -> vector<16xf32>
        %mul3A_993 = arith.mulf %unpack3A_991, %unpack3A_991 : vector<16xf32>
        %add3A_994 = arith.addf %broadcast_in_dim3A_981, %mul3A_993 : vector<16xf32>
        %mul3A_995 = arith.mulf %unpack3A_992, %unpack3A_992 : vector<16xf32>
        %add3A_996 = arith.addf %add3A_994, %mul3A_995 : vector<16xf32>
        %get3A_997 = arith.index_cast %rem3A_358 : i32 to index
        %get3A_998 = arith.index_cast %add3A_979 : i32 to index
        %get3A_999 = arith.constant 32 : index
        %get3A_1000 = tpu.vector_load %arg11[%get3A_997, %get3A_998, %get3A_999] {strides = array<i32>} : memref<2x128x64xbf16, #tpu.memory_space<vmem>>, vector<32xbf16>,
        %get3A_1001 = arith.index_cast %rem3A_358 : i32 to index
        %get3A_1002 = arith.index_cast %add3A_979 : i32 to index
        %get3A_1003 = arith.constant 32 : index
        %get3A_1004 = tpu.vector_load %arg12[%get3A_1001, %get3A_1002, %get3A_1003] {strides = array<i32>} : memref<2x128x64xbf16, #tpu.memory_space<vmem>>, vector<32xbf16>,
        %sub3A_1005 = arith.subf %get3A_1000, %get3A_1004 : vector<32xbf16>
        %unpack3A_1006 = tpu.unpack_subelements %sub3A_1005, 0 {pack_format = #tpu.pack_format<interleaved>} : vector<32xbf16> -> vector<16xf32>
        %unpack3A_1007 = tpu.unpack_subelements %sub3A_1005, 1 {pack_format = #tpu.pack_format<interleaved>} : vector<32xbf16> -> vector<16xf32>
        %mul3A_1008 = arith.mulf %unpack3A_1006, %unpack3A_1006 : vector<16xf32>
        %add3A_1009 = arith.addf %add3A_996, %mul3A_1008 : vector<16xf32>
        %mul3A_1010 = arith.mulf %unpack3A_1007, %unpack3A_1007 : vector<16xf32>
        %add3A_1011 = arith.addf %add3A_1009, %mul3A_1010 : vector<16xf32>
        %eq3A_1012 = arith.constant 13 : i32
        %eq3A_1013 = vector.broadcast %eq3A_1012 : i32 to vector<16xi32>
        %eq3A_1014 = arith.cmpi eq, %iota3A, %eq3A_1013 : vector<16xi32>
        %reduce_sum3A_1015 = arith.constant true
        %reduce_sum3A_1016 = vector.broadcast %reduce_sum3A_1015 : i1 to vector<16xi1>
        %reduce_sum3A_1017 = tpu.scan <sum>, %add3A_1011 masked %reduce_sum3A_1016 : vector<16xf32>, vector<16xi1> -> vector<16xf32>
        %reduce_sum3A_1018 = vector.extract %reduce_sum3A_1017[15] : f32 from vector<16xf32>
        %broadcast_in_dim3A_1019 = vector.broadcast %reduce_sum3A_1018 : f32 to vector<16xf32>
        %select_n3A_1020 = arith.select %eq3A_1014, %broadcast_in_dim3A_1019, %select_n3A_975 : vector<16xi1>, vector<16xf32>
        %mul3A_1021 = arith.constant 16 : i32
        %mul3A_1022 = arith.muli %scan3A_392, %mul3A_1021 : i32
        %add3A_1023 = arith.constant 14 : i32
        %add3A_1024 = arith.addi %mul3A_1022, %add3A_1023 : i32
        %broadcast_in_dim3A_1025 = arith.constant 0.000000e+00 : f32
        %broadcast_in_dim3A_1026 = vector.broadcast %broadcast_in_dim3A_1025 : f32 to vector<16xf32>
        %get3A_1027 = arith.index_cast %rem3A_358 : i32 to index
        %get3A_1028 = arith.index_cast %add3A_1024 : i32 to index
        %get3A_1029 = arith.constant 0 : index
        %get3A_1030 = tpu.vector_load %arg11[%get3A_1027, %get3A_1028, %get3A_1029] {strides = array<i32>} : memref<2x128x64xbf16, #tpu.memory_space<vmem>>, vector<32xbf16>,
        %get3A_1031 = arith.index_cast %rem3A_358 : i32 to index
        %get3A_1032 = arith.index_cast %add3A_1024 : i32 to index
        %get3A_1033 = arith.constant 0 : index
        %get3A_1034 = tpu.vector_load %arg12[%get3A_1031, %get3A_1032, %get3A_1033] {strides = array<i32>} : memref<2x128x64xbf16, #tpu.memory_space<vmem>>, vector<32xbf16>,
        %sub3A_1035 = arith.subf %get3A_1030, %get3A_1034 : vector<32xbf16>
        %unpack3A_1036 = tpu.unpack_subelements %sub3A_1035, 0 {pack_format = #tpu.pack_format<interleaved>} : vector<32xbf16> -> vector<16xf32>
        %unpack3A_1037 = tpu.unpack_subelements %sub3A_1035, 1 {pack_format = #tpu.pack_format<interleaved>} : vector<32xbf16> -> vector<16xf32>
        %mul3A_1038 = arith.mulf %unpack3A_1036, %unpack3A_1036 : vector<16xf32>
        %add3A_1039 = arith.addf %broadcast_in_dim3A_1026, %mul3A_1038 : vector<16xf32>
        %mul3A_1040 = arith.mulf %unpack3A_1037, %unpack3A_1037 : vector<16xf32>
        %add3A_1041 = arith.addf %add3A_1039, %mul3A_1040 : vector<16xf32>
        %get3A_1042 = arith.index_cast %rem3A_358 : i32 to index
        %get3A_1043 = arith.index_cast %add3A_1024 : i32 to index
        %get3A_1044 = arith.constant 32 : index
        %get3A_1045 = tpu.vector_load %arg11[%get3A_1042, %get3A_1043, %get3A_1044] {strides = array<i32>} : memref<2x128x64xbf16, #tpu.memory_space<vmem>>, vector<32xbf16>,
        %get3A_1046 = arith.index_cast %rem3A_358 : i32 to index
        %get3A_1047 = arith.index_cast %add3A_1024 : i32 to index
        %get3A_1048 = arith.constant 32 : index
        %get3A_1049 = tpu.vector_load %arg12[%get3A_1046, %get3A_1047, %get3A_1048] {strides = array<i32>} : memref<2x128x64xbf16, #tpu.memory_space<vmem>>, vector<32xbf16>,
        %sub3A_1050 = arith.subf %get3A_1045, %get3A_1049 : vector<32xbf16>
        %unpack3A_1051 = tpu.unpack_subelements %sub3A_1050, 0 {pack_format = #tpu.pack_format<interleaved>} : vector<32xbf16> -> vector<16xf32>
        %unpack3A_1052 = tpu.unpack_subelements %sub3A_1050, 1 {pack_format = #tpu.pack_format<interleaved>} : vector<32xbf16> -> vector<16xf32>
        %mul3A_1053 = arith.mulf %unpack3A_1051, %unpack3A_1051 : vector<16xf32>
        %add3A_1054 = arith.addf %add3A_1041, %mul3A_1053 : vector<16xf32>
        %mul3A_1055 = arith.mulf %unpack3A_1052, %unpack3A_1052 : vector<16xf32>
        %add3A_1056 = arith.addf %add3A_1054, %mul3A_1055 : vector<16xf32>
        %eq3A_1057 = arith.constant 14 : i32
        %eq3A_1058 = vector.broadcast %eq3A_1057 : i32 to vector<16xi32>
        %eq3A_1059 = arith.cmpi eq, %iota3A, %eq3A_1058 : vector<16xi32>
        %reduce_sum3A_1060 = arith.constant true
        %reduce_sum3A_1061 = vector.broadcast %reduce_sum3A_1060 : i1 to vector<16xi1>
        %reduce_sum3A_1062 = tpu.scan <sum>, %add3A_1056 masked %reduce_sum3A_1061 : vector<16xf32>, vector<16xi1> -> vector<16xf32>
        %reduce_sum3A_1063 = vector.extract %reduce_sum3A_1062[15] : f32 from vector<16xf32>
        %broadcast_in_dim3A_1064 = vector.broadcast %reduce_sum3A_1063 : f32 to vector<16xf32>
        %select_n3A_1065 = arith.select %eq3A_1059, %broadcast_in_dim3A_1064, %select_n3A_1020 : vector<16xi1>, vector<16xf32>
        %mul3A_1066 = arith.constant 16 : i32
        %mul3A_1067 = arith.muli %scan3A_392, %mul3A_1066 : i32
        %add3A_1068 = arith.constant 15 : i32
        %add3A_1069 = arith.addi %mul3A_1067, %add3A_1068 : i32
        %broadcast_in_dim3A_1070 = arith.constant 0.000000e+00 : f32
        %broadcast_in_dim3A_1071 = vector.broadcast %broadcast_in_dim3A_1070 : f32 to vector<16xf32>
        %get3A_1072 = arith.index_cast %rem3A_358 : i32 to index
        %get3A_1073 = arith.index_cast %add3A_1069 : i32 to index
        %get3A_1074 = arith.constant 0 : index
        %get3A_1075 = tpu.vector_load %arg11[%get3A_1072, %get3A_1073, %get3A_1074] {strides = array<i32>} : memref<2x128x64xbf16, #tpu.memory_space<vmem>>, vector<32xbf16>,
        %get3A_1076 = arith.index_cast %rem3A_358 : i32 to index
        %get3A_1077 = arith.index_cast %add3A_1069 : i32 to index
        %get3A_1078 = arith.constant 0 : index
        %get3A_1079 = tpu.vector_load %arg12[%get3A_1076, %get3A_1077, %get3A_1078] {strides = array<i32>} : memref<2x128x64xbf16, #tpu.memory_space<vmem>>, vector<32xbf16>,
        %sub3A_1080 = arith.subf %get3A_1075, %get3A_1079 : vector<32xbf16>
        %unpack3A_1081 = tpu.unpack_subelements %sub3A_1080, 0 {pack_format = #tpu.pack_format<interleaved>} : vector<32xbf16> -> vector<16xf32>
        %unpack3A_1082 = tpu.unpack_subelements %sub3A_1080, 1 {pack_format = #tpu.pack_format<interleaved>} : vector<32xbf16> -> vector<16xf32>
        %mul3A_1083 = arith.mulf %unpack3A_1081, %unpack3A_1081 : vector<16xf32>
        %add3A_1084 = arith.addf %broadcast_in_dim3A_1071, %mul3A_1083 : vector<16xf32>
        %mul3A_1085 = arith.mulf %unpack3A_1082, %unpack3A_1082 : vector<16xf32>
        %add3A_1086 = arith.addf %add3A_1084, %mul3A_1085 : vector<16xf32>
        %get3A_1087 = arith.index_cast %rem3A_358 : i32 to index
        %get3A_1088 = arith.index_cast %add3A_1069 : i32 to index
        %get3A_1089 = arith.constant 32 : index
        %get3A_1090 = tpu.vector_load %arg11[%get3A_1087, %get3A_1088, %get3A_1089] {strides = array<i32>} : memref<2x128x64xbf16, #tpu.memory_space<vmem>>, vector<32xbf16>,
        %get3A_1091 = arith.index_cast %rem3A_358 : i32 to index
        %get3A_1092 = arith.index_cast %add3A_1069 : i32 to index
        %get3A_1093 = arith.constant 32 : index
        %get3A_1094 = tpu.vector_load %arg12[%get3A_1091, %get3A_1092, %get3A_1093] {strides = array<i32>} : memref<2x128x64xbf16, #tpu.memory_space<vmem>>, vector<32xbf16>,
        %sub3A_1095 = arith.subf %get3A_1090, %get3A_1094 : vector<32xbf16>
        %unpack3A_1096 = tpu.unpack_subelements %sub3A_1095, 0 {pack_format = #tpu.pack_format<interleaved>} : vector<32xbf16> -> vector<16xf32>
        %unpack3A_1097 = tpu.unpack_subelements %sub3A_1095, 1 {pack_format = #tpu.pack_format<interleaved>} : vector<32xbf16> -> vector<16xf32>
        %mul3A_1098 = arith.mulf %unpack3A_1096, %unpack3A_1096 : vector<16xf32>
        %add3A_1099 = arith.addf %add3A_1086, %mul3A_1098 : vector<16xf32>
        %mul3A_1100 = arith.mulf %unpack3A_1097, %unpack3A_1097 : vector<16xf32>
        %add3A_1101 = arith.addf %add3A_1099, %mul3A_1100 : vector<16xf32>
        %eq3A_1102 = arith.constant 15 : i32
        %eq3A_1103 = vector.broadcast %eq3A_1102 : i32 to vector<16xi32>
        %eq3A_1104 = arith.cmpi eq, %iota3A, %eq3A_1103 : vector<16xi32>
        %reduce_sum3A_1105 = arith.constant true
        %reduce_sum3A_1106 = vector.broadcast %reduce_sum3A_1105 : i1 to vector<16xi1>
        %reduce_sum3A_1107 = tpu.scan <sum>, %add3A_1101 masked %reduce_sum3A_1106 : vector<16xf32>, vector<16xi1> -> vector<16xf32>
        %reduce_sum3A_1108 = vector.extract %reduce_sum3A_1107[15] : f32 from vector<16xf32>
        %broadcast_in_dim3A_1109 = vector.broadcast %reduce_sum3A_1108 : f32 to vector<16xf32>
        %select_n3A_1110 = arith.select %eq3A_1104, %broadcast_in_dim3A_1109, %select_n3A_1065 : vector<16xi1>, vector<16xf32>
        %max3A = arith.constant 1.000000e-30 : f32
        %max3A_1111 = vector.broadcast %max3A : f32 to vector<16xf32>
        %max3A_1112 = arith.maximumf %select_n3A_1110, %max3A_1111 : vector<16xf32>
        %mul3A_1113 = arith.constant 5.000000e-01 : f32
        %mul3A_1114 = vector.broadcast %mul3A_1113 : f32 to vector<16xf32>
        %mul3A_1115 = arith.mulf %max3A_1112, %mul3A_1114 : vector<16xf32>
        %bitcast3A = vector.bitcast %max3A_1112 : vector<16xf32> to vector<16xi32>
        %shift_right_arithmetic3A = arith.constant 1 : i32
        %shift_right_arithmetic3A_1116 = vector.broadcast %shift_right_arithmetic3A : i32 to vector<16xi32>
        %shift_right_arithmetic3A_1117 = arith.shrsi %bitcast3A, %shift_right_arithmetic3A_1116 : vector<16xi32>
        %sub3A_1118 = arith.constant 1597463007 : i32
        %sub3A_1119 = vector.broadcast %sub3A_1118 : i32 to vector<16xi32>
        %sub3A_1120 = arith.subi %sub3A_1119, %shift_right_arithmetic3A_1117 : vector<16xi32>
        %bitcast3A_1121 = vector.bitcast %sub3A_1120 : vector<16xi32> to vector<16xf32>
        %mul3A_1122 = arith.mulf %mul3A_1115, %bitcast3A_1121 : vector<16xf32>
        %mul3A_1123 = arith.mulf %mul3A_1122, %bitcast3A_1121 : vector<16xf32>
        %sub3A_1124 = arith.constant 1.500000e+00 : f32
        %sub3A_1125 = vector.broadcast %sub3A_1124 : f32 to vector<16xf32>
        %sub3A_1126 = arith.subf %sub3A_1125, %mul3A_1123 : vector<16xf32>
        %mul3A_1127 = arith.mulf %bitcast3A_1121, %sub3A_1126 : vector<16xf32>
        %mul3A_1128 = arith.mulf %mul3A_1115, %mul3A_1127 : vector<16xf32>
        %mul3A_1129 = arith.mulf %mul3A_1128, %mul3A_1127 : vector<16xf32>
        %sub3A_1130 = arith.constant 1.500000e+00 : f32
        %sub3A_1131 = vector.broadcast %sub3A_1130 : f32 to vector<16xf32>
        %sub3A_1132 = arith.subf %sub3A_1131, %mul3A_1129 : vector<16xf32>
        %mul3A_1133 = arith.mulf %mul3A_1127, %sub3A_1132 : vector<16xf32>
        %mul3A_1134 = arith.mulf %mul3A_1115, %mul3A_1133 : vector<16xf32>
        %mul3A_1135 = arith.mulf %mul3A_1134, %mul3A_1133 : vector<16xf32>
        %sub3A_1136 = arith.constant 1.500000e+00 : f32
        %sub3A_1137 = vector.broadcast %sub3A_1136 : f32 to vector<16xf32>
        %sub3A_1138 = arith.subf %sub3A_1137, %mul3A_1135 : vector<16xf32>
        %mul3A_1139 = arith.mulf %mul3A_1133, %sub3A_1138 : vector<16xf32>
        %mul3A_1140 = arith.mulf %select_n3A_1110, %mul3A_1139 : vector<16xf32>
        %mul3A_1141 = arith.constant 16 : i32
        %mul3A_1142 = arith.muli %scan3A_392, %mul3A_1141 : i32
        %get3A_1143 = arith.index_cast %scan3A_356 : i32 to index
        %get3A_1144 = arith.index_cast %mul3A_1142 : i32 to index
        %get3A_1145 = tpu.vector_load %arg8[%get3A_1143, %get3A_1144] {strides = array<i32>} : memref<66x128xf32, #tpu.memory_space<vmem>>, vector<16xf32>,
        %sub3A_1146 = arith.subf %get3A_1145, %mul3A_1140 : vector<16xf32>
        %mul3A_1147 = arith.mulf %sub3A_1146, %sub3A_1146 : vector<16xf32>
        %add3A_1148 = arith.addf %scan3A_393, %mul3A_1147 : vector<16xf32>
        scf.yield %add3A_1148 : vector<16xf32>
      }
      %scan3A_387 = arith.constant 8 : i32
      %add3A_388 = arith.constant 2 : i32
      %add3A_389 = arith.addi %scan3A_356, %add3A_388 : i32
      %lt3A = arith.constant 66 : i32
      %lt3A_390 = arith.cmpi slt, %add3A_389, %lt3A : i32
      %convert_element_type3A = arith.extui %lt3A_390 : i1 to i32
      %cond3A = arith.constant 0 : i32
      %cond3A_391 = arith.cmpi ne, %convert_element_type3A, %cond3A : i32
      scf.if %cond3A_391 {
        %get3A_392 = arith.index_cast %add3A_389 : i32 to index
        %get3A_393 = arith.constant 0 : index
        %get3A_394 = tpu.vector_load %arg7[%get3A_392, %get3A_393] {strides = array<i32>} : memref<66x128xi32, #tpu.memory_space<vmem>>, vector<16xi32>,
        %and3A_395 = arith.constant 16383 : i32
        %and3A_396 = vector.broadcast %and3A_395 : i32 to vector<16xi32>
        %and3A_397 = arith.andi %get3A_394, %and3A_396 : vector<16xi32>
        %swap3A_398 = arith.index_cast %rem3A_358 : i32 to index
        %swap3A_399 = arith.constant 0 : index
        %swap3A_400 = tpu.vector_load %arg9[%swap3A_398, %swap3A_399] {strides = array<i32>} : memref<2x128xi32, #tpu.memory_space<vmem>>, vector<16xi32>,
        tpu.vector_store %arg9[%swap3A_398, %swap3A_399], %and3A_397 {strides = array<i32>} : memref<2x128xi32, #tpu.memory_space<vmem>>, vector<16xi32>,
        %shift_right_logical3A_401 = arith.constant 14 : i32
        %shift_right_logical3A_402 = vector.broadcast %shift_right_logical3A_401 : i32 to vector<16xi32>
        %shift_right_logical3A_403 = arith.shrui %get3A_394, %shift_right_logical3A_402 : vector<16xi32>
        %swap3A_404 = arith.index_cast %rem3A_358 : i32 to index
        %swap3A_405 = arith.constant 0 : index
        %swap3A_406 = tpu.vector_load %arg10[%swap3A_404, %swap3A_405] {strides = array<i32>} : memref<2x128xi32, #tpu.memory_space<vmem>>, vector<16xi32>,
        tpu.vector_store %arg10[%swap3A_404, %swap3A_405], %shift_right_logical3A_403 {strides = array<i32>} : memref<2x128xi32, #tpu.memory_space<vmem>>, vector<16xi32>,
        %get3A_407 = arith.index_cast %add3A_389 : i32 to index
        %get3A_408 = arith.constant 16 : index
        %get3A_409 = tpu.vector_load %arg7[%get3A_407, %get3A_408] {strides = array<i32>} : memref<66x128xi32, #tpu.memory_space<vmem>>, vector<16xi32>,
        %and3A_410 = arith.constant 16383 : i32
        %and3A_411 = vector.broadcast %and3A_410 : i32 to vector<16xi32>
        %and3A_412 = arith.andi %get3A_409, %and3A_411 : vector<16xi32>
        %swap3A_413 = arith.index_cast %rem3A_358 : i32 to index
        %swap3A_414 = arith.constant 16 : index
        %swap3A_415 = tpu.vector_load %arg9[%swap3A_413, %swap3A_414] {strides = array<i32>} : memref<2x128xi32, #tpu.memory_space<vmem>>, vector<16xi32>,
        tpu.vector_store %arg9[%swap3A_413, %swap3A_414], %and3A_412 {strides = array<i32>} : memref<2x128xi32, #tpu.memory_space<vmem>>, vector<16xi32>,
        %shift_right_logical3A_416 = arith.constant 14 : i32
        %shift_right_logical3A_417 = vector.broadcast %shift_right_logical3A_416 : i32 to vector<16xi32>
        %shift_right_logical3A_418 = arith.shrui %get3A_409, %shift_right_logical3A_417 : vector<16xi32>
        %swap3A_419 = arith.index_cast %rem3A_358 : i32 to index
        %swap3A_420 = arith.constant 16 : index
        %swap3A_421 = tpu.vector_load %arg10[%swap3A_419, %swap3A_420] {strides = array<i32>} : memref<2x128xi32, #tpu.memory_space<vmem>>, vector<16xi32>,
        tpu.vector_store %arg10[%swap3A_419, %swap3A_420], %shift_right_logical3A_418 {strides = array<i32>} : memref<2x128xi32, #tpu.memory_space<vmem>>, vector<16xi32>,
        %get3A_422 = arith.index_cast %add3A_389 : i32 to index
        %get3A_423 = arith.constant 32 : index
        %get3A_424 = tpu.vector_load %arg7[%get3A_422, %get3A_423] {strides = array<i32>} : memref<66x128xi32, #tpu.memory_space<vmem>>, vector<16xi32>,
        %and3A_425 = arith.constant 16383 : i32
        %and3A_426 = vector.broadcast %and3A_425 : i32 to vector<16xi32>
        %and3A_427 = arith.andi %get3A_424, %and3A_426 : vector<16xi32>
        %swap3A_428 = arith.index_cast %rem3A_358 : i32 to index
        %swap3A_429 = arith.constant 32 : index
        %swap3A_430 = tpu.vector_load %arg9[%swap3A_428, %swap3A_429] {strides = array<i32>} : memref<2x128xi32, #tpu.memory_space<vmem>>, vector<16xi32>,
        tpu.vector_store %arg9[%swap3A_428, %swap3A_429], %and3A_427 {strides = array<i32>} : memref<2x128xi32, #tpu.memory_space<vmem>>, vector<16xi32>,
        %shift_right_logical3A_431 = arith.constant 14 : i32
        %shift_right_logical3A_432 = vector.broadcast %shift_right_logical3A_431 : i32 to vector<16xi32>
        %shift_right_logical3A_433 = arith.shrui %get3A_424, %shift_right_logical3A_432 : vector<16xi32>
        %swap3A_434 = arith.index_cast %rem3A_358 : i32 to index
        %swap3A_435 = arith.constant 32 : index
        %swap3A_436 = tpu.vector_load %arg10[%swap3A_434, %swap3A_435] {strides = array<i32>} : memref<2x128xi32, #tpu.memory_space<vmem>>, vector<16xi32>,
        tpu.vector_store %arg10[%swap3A_434, %swap3A_435], %shift_right_logical3A_433 {strides = array<i32>} : memref<2x128xi32, #tpu.memory_space<vmem>>, vector<16xi32>,
        %get3A_437 = arith.index_cast %add3A_389 : i32 to index
        %get3A_438 = arith.constant 48 : index
        %get3A_439 = tpu.vector_load %arg7[%get3A_437, %get3A_438] {strides = array<i32>} : memref<66x128xi32, #tpu.memory_space<vmem>>, vector<16xi32>,
        %and3A_440 = arith.constant 16383 : i32
        %and3A_441 = vector.broadcast %and3A_440 : i32 to vector<16xi32>
        %and3A_442 = arith.andi %get3A_439, %and3A_441 : vector<16xi32>
        %swap3A_443 = arith.index_cast %rem3A_358 : i32 to index
        %swap3A_444 = arith.constant 48 : index
        %swap3A_445 = tpu.vector_load %arg9[%swap3A_443, %swap3A_444] {strides = array<i32>} : memref<2x128xi32, #tpu.memory_space<vmem>>, vector<16xi32>,
        tpu.vector_store %arg9[%swap3A_443, %swap3A_444], %and3A_442 {strides = array<i32>} : memref<2x128xi32, #tpu.memory_space<vmem>>, vector<16xi32>,
        %shift_right_logical3A_446 = arith.constant 14 : i32
        %shift_right_logical3A_447 = vector.broadcast %shift_right_logical3A_446 : i32 to vector<16xi32>
        %shift_right_logical3A_448 = arith.shrui %get3A_439, %shift_right_logical3A_447 : vector<16xi32>
        %swap3A_449 = arith.index_cast %rem3A_358 : i32 to index
        %swap3A_450 = arith.constant 48 : index
        %swap3A_451 = tpu.vector_load %arg10[%swap3A_449, %swap3A_450] {strides = array<i32>} : memref<2x128xi32, #tpu.memory_space<vmem>>, vector<16xi32>,
        tpu.vector_store %arg10[%swap3A_449, %swap3A_450], %shift_right_logical3A_448 {strides = array<i32>} : memref<2x128xi32, #tpu.memory_space<vmem>>, vector<16xi32>,
        %get3A_452 = arith.index_cast %add3A_389 : i32 to index
        %get3A_453 = arith.constant 64 : index
        %get3A_454 = tpu.vector_load %arg7[%get3A_452, %get3A_453] {strides = array<i32>} : memref<66x128xi32, #tpu.memory_space<vmem>>, vector<16xi32>,
        %and3A_455 = arith.constant 16383 : i32
        %and3A_456 = vector.broadcast %and3A_455 : i32 to vector<16xi32>
        %and3A_457 = arith.andi %get3A_454, %and3A_456 : vector<16xi32>
        %swap3A_458 = arith.index_cast %rem3A_358 : i32 to index
        %swap3A_459 = arith.constant 64 : index
        %swap3A_460 = tpu.vector_load %arg9[%swap3A_458, %swap3A_459] {strides = array<i32>} : memref<2x128xi32, #tpu.memory_space<vmem>>, vector<16xi32>,
        tpu.vector_store %arg9[%swap3A_458, %swap3A_459], %and3A_457 {strides = array<i32>} : memref<2x128xi32, #tpu.memory_space<vmem>>, vector<16xi32>,
        %shift_right_logical3A_461 = arith.constant 14 : i32
        %shift_right_logical3A_462 = vector.broadcast %shift_right_logical3A_461 : i32 to vector<16xi32>
        %shift_right_logical3A_463 = arith.shrui %get3A_454, %shift_right_logical3A_462 : vector<16xi32>
        %swap3A_464 = arith.index_cast %rem3A_358 : i32 to index
        %swap3A_465 = arith.constant 64 : index
        %swap3A_466 = tpu.vector_load %arg10[%swap3A_464, %swap3A_465] {strides = array<i32>} : memref<2x128xi32, #tpu.memory_space<vmem>>, vector<16xi32>,
        tpu.vector_store %arg10[%swap3A_464, %swap3A_465], %shift_right_logical3A_463 {strides = array<i32>} : memref<2x128xi32, #tpu.memory_space<vmem>>, vector<16xi32>,
        %get3A_467 = arith.index_cast %add3A_389 : i32 to index
        %get3A_468 = arith.constant 80 : index
        %get3A_469 = tpu.vector_load %arg7[%get3A_467, %get3A_468] {strides = array<i32>} : memref<66x128xi32, #tpu.memory_space<vmem>>, vector<16xi32>,
        %and3A_470 = arith.constant 16383 : i32
        %and3A_471 = vector.broadcast %and3A_470 : i32 to vector<16xi32>
        %and3A_472 = arith.andi %get3A_469, %and3A_471 : vector<16xi32>
        %swap3A_473 = arith.index_cast %rem3A_358 : i32 to index
        %swap3A_474 = arith.constant 80 : index
        %swap3A_475 = tpu.vector_load %arg9[%swap3A_473, %swap3A_474] {strides = array<i32>} : memref<2x128xi32, #tpu.memory_space<vmem>>, vector<16xi32>,
        tpu.vector_store %arg9[%swap3A_473, %swap3A_474], %and3A_472 {strides = array<i32>} : memref<2x128xi32, #tpu.memory_space<vmem>>, vector<16xi32>,
        %shift_right_logical3A_476 = arith.constant 14 : i32
        %shift_right_logical3A_477 = vector.broadcast %shift_right_logical3A_476 : i32 to vector<16xi32>
        %shift_right_logical3A_478 = arith.shrui %get3A_469, %shift_right_logical3A_477 : vector<16xi32>
        %swap3A_479 = arith.index_cast %rem3A_358 : i32 to index
        %swap3A_480 = arith.constant 80 : index
        %swap3A_481 = tpu.vector_load %arg10[%swap3A_479, %swap3A_480] {strides = array<i32>} : memref<2x128xi32, #tpu.memory_space<vmem>>, vector<16xi32>,
        tpu.vector_store %arg10[%swap3A_479, %swap3A_480], %shift_right_logical3A_478 {strides = array<i32>} : memref<2x128xi32, #tpu.memory_space<vmem>>, vector<16xi32>,
        %get3A_482 = arith.index_cast %add3A_389 : i32 to index
        %get3A_483 = arith.constant 96 : index
        %get3A_484 = tpu.vector_load %arg7[%get3A_482, %get3A_483] {strides = array<i32>} : memref<66x128xi32, #tpu.memory_space<vmem>>, vector<16xi32>,
        %and3A_485 = arith.constant 16383 : i32
        %and3A_486 = vector.broadcast %and3A_485 : i32 to vector<16xi32>
        %and3A_487 = arith.andi %get3A_484, %and3A_486 : vector<16xi32>
        %swap3A_488 = arith.index_cast %rem3A_358 : i32 to index
        %swap3A_489 = arith.constant 96 : index
        %swap3A_490 = tpu.vector_load %arg9[%swap3A_488, %swap3A_489] {strides = array<i32>} : memref<2x128xi32, #tpu.memory_space<vmem>>, vector<16xi32>,
        tpu.vector_store %arg9[%swap3A_488, %swap3A_489], %and3A_487 {strides = array<i32>} : memref<2x128xi32, #tpu.memory_space<vmem>>, vector<16xi32>,
        %shift_right_logical3A_491 = arith.constant 14 : i32
        %shift_right_logical3A_492 = vector.broadcast %shift_right_logical3A_491 : i32 to vector<16xi32>
        %shift_right_logical3A_493 = arith.shrui %get3A_484, %shift_right_logical3A_492 : vector<16xi32>
        %swap3A_494 = arith.index_cast %rem3A_358 : i32 to index
        %swap3A_495 = arith.constant 96 : index
        %swap3A_496 = tpu.vector_load %arg10[%swap3A_494, %swap3A_495] {strides = array<i32>} : memref<2x128xi32, #tpu.memory_space<vmem>>, vector<16xi32>,
        tpu.vector_store %arg10[%swap3A_494, %swap3A_495], %shift_right_logical3A_493 {strides = array<i32>} : memref<2x128xi32, #tpu.memory_space<vmem>>, vector<16xi32>,
        %get3A_497 = arith.index_cast %add3A_389 : i32 to index
        %get3A_498 = arith.constant 112 : index
        %get3A_499 = tpu.vector_load %arg7[%get3A_497, %get3A_498] {strides = array<i32>} : memref<66x128xi32, #tpu.memory_space<vmem>>, vector<16xi32>,
        %and3A_500 = arith.constant 16383 : i32
        %and3A_501 = vector.broadcast %and3A_500 : i32 to vector<16xi32>
        %and3A_502 = arith.andi %get3A_499, %and3A_501 : vector<16xi32>
        %swap3A_503 = arith.index_cast %rem3A_358 : i32 to index
        %swap3A_504 = arith.constant 112 : index
        %swap3A_505 = tpu.vector_load %arg9[%swap3A_503, %swap3A_504] {strides = array<i32>} : memref<2x128xi32, #tpu.memory_space<vmem>>, vector<16xi32>,
        tpu.vector_store %arg9[%swap3A_503, %swap3A_504], %and3A_502 {strides = array<i32>} : memref<2x128xi32, #tpu.memory_space<vmem>>, vector<16xi32>,
        %shift_right_logical3A_506 = arith.constant 14 : i32
        %shift_right_logical3A_507 = vector.broadcast %shift_right_logical3A_506 : i32 to vector<16xi32>
        %shift_right_logical3A_508 = arith.shrui %get3A_499, %shift_right_logical3A_507 : vector<16xi32>
        %swap3A_509 = arith.index_cast %rem3A_358 : i32 to index
        %swap3A_510 = arith.constant 112 : index
        %swap3A_511 = tpu.vector_load %arg10[%swap3A_509, %swap3A_510] {strides = array<i32>} : memref<2x128xi32, #tpu.memory_space<vmem>>, vector<16xi32>,
        tpu.vector_store %arg10[%swap3A_509, %swap3A_510], %shift_right_logical3A_508 {strides = array<i32>} : memref<2x128xi32, #tpu.memory_space<vmem>>, vector<16xi32>,
        %dma_start3A_512 = arith.constant 0 : i32
        %dma_start3A_513 = arith.constant 0 : i32
        %dma_start3A_514 = tpu.memref_slice %arg11[%rem3A_358, %dma_start3A_512, %dma_start3A_513] : memref<2x128x64xbf16, #tpu.memory_space<vmem>> -> memref<1x128x64xbf16, #tpu.memory_space<vmem>>
        %dma_start3A_515 = tpu.memref_squeeze %dma_start3A_514 : memref<1x128x64xbf16, #tpu.memory_space<vmem>> -> memref<128x64xbf16, #tpu.memory_space<vmem>>
        %dma_start3A_516 = arith.constant 0 : i32
        %dma_start3A_517 = tpu.memref_slice %arg9[%rem3A_358, %dma_start3A_516] : memref<2x128xi32, #tpu.memory_space<vmem>> -> memref<1x128xi32, #tpu.memory_space<vmem>>
        %dma_start3A_518 = tpu.memref_squeeze %dma_start3A_517 : memref<1x128xi32, #tpu.memory_space<vmem>> -> memref<128xi32, #tpu.memory_space<vmem>>
        %dma_start3A_519 = arith.constant 0 : i32
        %dma_start3A_520 = arith.constant 0 : i32
        %dma_start3A_521 = tpu.memref_slice %arg6[%dma_start3A_519, %dma_start3A_520] : memref<16384x64xbf16, #tpu.memory_space<vmem_shared>> -> memref<16384x64xbf16, #tpu.memory_space<vmem_shared>>
        %dma_start3A_522 = tpu.memref_slice %arg14[%rem3A_358] : memref<2x!tpu.dma_semaphore, #tpu.memory_space<semaphore_mem>> -> memref<1x!tpu.dma_semaphore, #tpu.memory_space<semaphore_mem>>
        %dma_start3A_523 = tpu.memref_squeeze %dma_start3A_522 : memref<1x!tpu.dma_semaphore, #tpu.memory_space<semaphore_mem>> -> memref<!tpu.dma_semaphore, #tpu.memory_space<semaphore_mem>>
        tpu.enqueue_indirect_dma source(%dma_start3A_521 : memref<16384x64xbf16, #tpu.memory_space<vmem_shared>>) target(%dma_start3A_515 : memref<128x64xbf16, #tpu.memory_space<vmem>>) offsets(%dma_start3A_518 : memref<128xi32, #tpu.memory_space<vmem>>) semaphore(%dma_start3A_523 : memref<!tpu.dma_semaphore, #tpu.memory_space<semaphore_mem>>)
        %dma_start3A_524 = arith.constant 0 : i32
        %dma_start3A_525 = arith.constant 0 : i32
        %dma_start3A_526 = tpu.memref_slice %arg12[%rem3A_358, %dma_start3A_524, %dma_start3A_525] : memref<2x128x64xbf16, #tpu.memory_space<vmem>> -> memref<1x128x64xbf16, #tpu.memory_space<vmem>>
        %dma_start3A_527 = tpu.memref_squeeze %dma_start3A_526 : memref<1x128x64xbf16, #tpu.memory_space<vmem>> -> memref<128x64xbf16, #tpu.memory_space<vmem>>
        %dma_start3A_528 = arith.constant 0 : i32
        %dma_start3A_529 = tpu.memref_slice %arg10[%rem3A_358, %dma_start3A_528] : memref<2x128xi32, #tpu.memory_space<vmem>> -> memref<1x128xi32, #tpu.memory_space<vmem>>
        %dma_start3A_530 = tpu.memref_squeeze %dma_start3A_529 : memref<1x128xi32, #tpu.memory_space<vmem>> -> memref<128xi32, #tpu.memory_space<vmem>>
        %dma_start3A_531 = arith.constant 0 : i32
        %dma_start3A_532 = arith.constant 0 : i32
        %dma_start3A_533 = tpu.memref_slice %arg6[%dma_start3A_531, %dma_start3A_532] : memref<16384x64xbf16, #tpu.memory_space<vmem_shared>> -> memref<16384x64xbf16, #tpu.memory_space<vmem_shared>>
        %dma_start3A_534 = tpu.memref_slice %arg14[%rem3A_358] : memref<2x!tpu.dma_semaphore, #tpu.memory_space<semaphore_mem>> -> memref<1x!tpu.dma_semaphore, #tpu.memory_space<semaphore_mem>>
        %dma_start3A_535 = tpu.memref_squeeze %dma_start3A_534 : memref<1x!tpu.dma_semaphore, #tpu.memory_space<semaphore_mem>> -> memref<!tpu.dma_semaphore, #tpu.memory_space<semaphore_mem>>
        tpu.enqueue_indirect_dma source(%dma_start3A_533 : memref<16384x64xbf16, #tpu.memory_space<vmem_shared>>) target(%dma_start3A_527 : memref<128x64xbf16, #tpu.memory_space<vmem>>) offsets(%dma_start3A_530 : memref<128xi32, #tpu.memory_space<vmem>>) semaphore(%dma_start3A_535 : memref<!tpu.dma_semaphore, #tpu.memory_space<semaphore_mem>>)
      } else {
      }
      scf.yield %scan3A_386 : vector<16xf32>
    }
    %scan3A_353 = arith.constant 66 : i32
    %swap3A_354 = arith.constant 0 : index
    %swap3A_355 = tpu.vector_load %arg13[%swap3A_354] {strides = array<i32>} : memref<16xf32, #tpu.memory_space<vmem>>, vector<16xf32>,
    tpu.vector_store %arg13[%swap3A_354], %scan3A_352 {strides = array<i32>} : memref<16xf32, #tpu.memory_space<vmem>>, vector<16xf32>,
    "tpu.region"() ({
      %run_scoped3A = tpu.sem_alloc : memref<!tpu.dma_semaphore, #tpu.memory_space<semaphore_mem>>
      %dma_start3A_356 = arith.constant 0 : i32
      %dma_start3A_357 = tpu.memref_slice %arg5[%add3A, %dma_start3A_356] : memref<32x16xf32, #tpu.memory_space<hbm>> -> memref<1x16xf32, #tpu.memory_space<hbm>>
      %dma_start3A_358 = tpu.memref_squeeze %dma_start3A_357 : memref<1x16xf32, #tpu.memory_space<hbm>> -> memref<16xf32, #tpu.memory_space<hbm>>
      %dma_start3A_359 = arith.constant 0 : i32
      %dma_start3A_360 = tpu.memref_slice %arg5[%add3A, %dma_start3A_359] : memref<32x16xf32, #tpu.memory_space<hbm>> -> memref<1x16xf32, #tpu.memory_space<hbm>>
      %dma_start3A_361 = tpu.memref_squeeze %dma_start3A_360 : memref<1x16xf32, #tpu.memory_space<hbm>> -> memref<16xf32, #tpu.memory_space<hbm>>
      tpu.enqueue_dma source(%arg13 : memref<16xf32, #tpu.memory_space<vmem>>) target(%dma_start3A_361 : memref<16xf32, #tpu.memory_space<hbm>>) target_semaphore(%run_scoped3A : memref<!tpu.dma_semaphore, #tpu.memory_space<semaphore_mem>>)
      %dma_wait3A = arith.constant 0 : i32
      %dma_wait3A_362 = tpu.memref_slice %arg5[%add3A, %dma_wait3A] : memref<32x16xf32, #tpu.memory_space<hbm>> -> memref<1x16xf32, #tpu.memory_space<hbm>>
      %dma_wait3A_363 = tpu.memref_squeeze %dma_wait3A_362 : memref<1x16xf32, #tpu.memory_space<hbm>> -> memref<16xf32, #tpu.memory_space<hbm>>
      %dma_wait3A_364 = arith.constant 0 : i32
      %dma_wait3A_365 = tpu.memref_slice %arg5[%add3A, %dma_wait3A_364] : memref<32x16xf32, #tpu.memory_space<hbm>> -> memref<1x16xf32, #tpu.memory_space<hbm>>
      %dma_wait3A_366 = tpu.memref_squeeze %dma_wait3A_365 : memref<1x16xf32, #tpu.memory_space<hbm>> -> memref<16xf32, #tpu.memory_space<hbm>>
      tpu.wait_dma2 semaphore(%run_scoped3A : memref<!tpu.dma_semaphore, #tpu.memory_space<semaphore_mem>>) src(%arg13 : memref<16xf32, #tpu.memory_space<vmem>>) dst(%dma_wait3A_366 : memref<16xf32, #tpu.memory_space<hbm>>)
      tpu.yield
    }) : () -> ()
    return
  }
}

</mosaic_0001>

<sc_bundles>
// kernel: kernel.3.cloned.1.call-start
scs
__scs_entry_jumppad:
0x0: {  	(pc) =	sbr.rel $0x88, $3  }
0x1: {  	(tag) =	ssettag $0x0;
	lr =	simm.s32 $0x1  }
0x2: {  	[smem:$0x3F9E] =	sst lr;
	_ =	strace $0xD0000000  }
0x3: {  	_ = 	snop  }
0x4: {  	_ = 	snop  }
0x5: {  	_ = 	snop  }
0x6: {  	_ = 	snop  }
0x7: {  	_ = 	snop  }
__scs_overlays_trampoline_lowered:
0x8: {  	[smem:$0x3FAD] =	sst s0  }
0x9: {  	[smem:$0x3FAE] =	sst s1  }
0xa: {  	[smem:$0x3FAF] =	sst s2  }
0xb: {  	[smem:$0x3FB0] =	sst s3  }
0xc: {  	[smem:$0x3FB1] =	sst s4  }
0xd: {  	[smem:$0x3FB2] =	sst s5  }
0xe: {  	[smem:$0x3FB3] =	sst s6  }
0xf: {  	[smem:$0x3FB4] =	sst s7  }
0x10: {  	[smem:$0x3FB5] =	sst s8  }
0x11: {  	[smem:$0x3FB6] =	sst s9;
	s0 =	simm.s32 @!p0 $0x0  }
0x12: {  	s1 =	sld [smem:$0x3F9C];
	s0 =	simm.s32 @p0 $0x1  }
0x13: {  	[smem:$0x3FB7] =	sst s0;
	s0 =	simm.s32 @!p1 $0x0  }
0x14: {  	s2 =	sld [smem:$0x3F9B];
	s0 =	simm.s32 @p1 $0x1  }
0x15: {  	[smem:$0x3FB8] =	sst s0;
	s0 =	simm.s32 @!p2 $0x0  }
0x16: {  	s3 =	sld [smem:$0x3FDB];
	s0 =	simm.s32 @p2 $0x1  }
0x17: {  	s4 =	simm.s32 $0x1BF5;
	[smem:$0x3FBA] =	sst s0  }
0x18: {  	s0 =	sld [smem:$0x3F9D];
	_ =	swait.ge [sflag:s4], $0x0  }
0x19: {  	s7 =	sld [smem:$0x3F9E]  }
0x1a: {  	s8 =	sadd.s32 $0xFFFFE003, lr  }
0x1b: {  	s9 =	sadd.s32 $0xFFFFFEF7, lr;
	s5 =	simm.s32 $0xFFFFFFFF;
	p2 =	slt.u32 s8, $0xFFFFF086  }
0x1c: {  	p1 =	slt.u32 s9, $0xF7A;
	s5 =	simm.s32 @!p2 $0x0  }
0x1d: {  	s5 =	simm.s32 @p1 $0x1;
	p0 =	seq.s32 s7, s2  }
0x1e: {  	s7 =	smul.u32 @!p0 $0xF7A, s2;
	p2 =	seq.s32 @!p0 s5, $0x0  }
0x1f: {  	s9 =	smul.u32 $0xF7A, s1;
	s8 =	simm.s32 @!p0 $0x1BF5;
	p2 =	por !p2, p0  }
0x20: {  	[sflag:s8] =	ssyncset.s32 @!p0 $0xFFFFF086;
	s6 =	sadd.s32 @!p0 s3, s7;
	s7 =	simm.s32 @!p0 $0x108  }
0x21: {  	s3 =	sadd.s32 s3, s9;
	s6 =	sadd.s32 @!p0 $0x88, s6;
	s7 =	simm.s32 @p2 $0x1082  }
0x22: {  	[simem:s7], [sflag:s8] =	dma.local @!p0 [hbm:s6], $0xF7A  }
0x23: {  	s9 =	sor.u32 $0xD0000000, s2;
	s6 =	simm.s32 $0x108;
	_ =	swait.ge @!p0 [sflag:s8], $0x0  }
0x24: {  	s3 =	sadd.s32 $0x88, s3;
	s6 =	simm.s32 @!p1 $0x1082;
	[sflag:s4] =	ssyncset.s32 $0xFFFFF086  }
0x25: {  	[simem:s6], [sflag:s4] =	dma.local [hbm:s3], $0xF7A  }
0x26: {  	[smem:$0x3F9E] =	sst s1;
	(tag) =	ssettag s2;
	_ =	strace s9  }
0x27: {  	s1 =	sld [smem:$0x3FAE]  }
0x28: {  	s2 =	sld [smem:$0x3FAF]  }
0x29: {  	s4 =	sld [smem:$0x3FB1]  }
0x2a: {  	p0 =	seq.s32 s5, $0x0;
	s5 =	sld [smem:$0x3FB2]  }
0x2b: {  	s6 =	sld [smem:$0x3FB3]  }
0x2c: {  	s7 =	sld [smem:$0x3FB4]  }
0x2d: {  	s3 =	simm.s32 $0x108;
	s8 =	sld [smem:$0x3FB5]  }
0x2e: {  	s3 =	simm.s32 @!p0 $0x1082;
	s9 =	sld [smem:$0x3FB6]  }
0x2f: {  	lr =	sadd.s32 s0, s3;
	s0 =	sld [smem:$0x3FAD]  }
0x30: {  	s3 =	sld [smem:$0x3FB0]  }
0x31: {  	[smem:$0x3FB9] =	sst s10  }
0x32: {  	s10 =	sld [smem:$0x3FB7];
	_ =	sdelay $0x3  }
0x33: {  	p0 =	seq.s32 s10, $0x1;
	s10 =	sld [smem:$0x3FB9];
	_ =	sdelay $0x3  }
0x34: {  	[smem:$0x3FB9] =	sst s10  }
0x35: {  	s10 =	sld [smem:$0x3FB8];
	_ =	sdelay $0x3  }
0x36: {  	p1 =	seq.s32 s10, $0x1;
	s10 =	sld [smem:$0x3FB9];
	_ =	sdelay $0x3  }
0x37: {  	[smem:$0x3FB9] =	sst s10  }
0x38: {  	s10 =	sld [smem:$0x3FBA]  }
0x39: {  	_ = 	snop;
	(pc) =	sbr.ind lr, $3  }
0x3a: {  	_ = 	snop  }
0x3b: {  	_ = 	snop  }
0x3c: {  	p2 =	seq.s32 s10, $0x1;
	s10 =	sld [smem:$0x3FB9]  }
0x3d: {  	_ =	shalt  }
0x3e: {  	_ =	shalt  }
0x3f: {  	_ =	shalt  }
0x40: {  	_ =	shalt  }
0x41: {  	_ =	shalt  }
0x42: {  	_ =	shalt  }
0x43: {  	_ =	shalt  }
0x44: {  	_ =	shalt  }
0x45: {  	_ =	shalt  }
0x46: {  	_ =	shalt  }
0x47: {  	_ =	shalt  }
0x48: {  	_ =	shalt  }
0x49: {  	_ =	shalt  }
0x4a: {  	_ =	shalt  }
0x4b: {  	_ =	shalt  }
0x4c: {  	_ =	shalt  }
0x4d: {  	_ =	shalt  }
0x4e: {  	_ =	shalt  }
0x4f: {  	_ =	shalt  }
0x50: {  	_ =	shalt  }
0x51: {  	_ =	shalt  }
0x52: {  	_ =	shalt  }
0x53: {  	_ =	shalt  }
0x54: {  	_ =	shalt  }
0x55: {  	_ =	shalt  }
0x56: {  	_ =	shalt  }
0x57: {  	_ =	shalt  }
0x58: {  	_ =	shalt  }
0x59: {  	_ =	shalt  }
0x5a: {  	_ =	shalt  }
0x5b: {  	_ =	shalt  }
0x5c: {  	_ =	shalt  }
0x5d: {  	_ =	shalt  }
0x5e: {  	_ =	shalt  }
0x5f: {  	_ =	shalt  }
0x60: {  	_ =	shalt  }
0x61: {  	_ =	shalt  }
0x62: {  	_ =	shalt  }
0x63: {  	_ =	shalt  }
0x64: {  	_ =	shalt  }
0x65: {  	_ =	shalt  }
0x66: {  	_ =	shalt  }
0x67: {  	_ =	shalt  }
0x68: {  	_ =	shalt  }
0x69: {  	_ =	shalt  }
0x6a: {  	_ =	shalt  }
0x6b: {  	_ =	shalt  }
0x6c: {  	_ =	shalt  }
0x6d: {  	_ =	shalt  }
0x6e: {  	_ =	shalt  }
0x6f: {  	_ =	shalt  }
0x70: {  	_ =	shalt  }
0x71: {  	_ =	shalt  }
0x72: {  	_ =	shalt  }
0x73: {  	_ =	shalt  }
0x74: {  	_ =	shalt  }
0x75: {  	_ =	shalt  }
0x76: {  	_ =	shalt  }
0x77: {  	_ =	shalt  }
0x78: {  	_ =	shalt  }
0x79: {  	_ =	shalt  }
0x7a: {  	_ =	shalt  }
0x7b: {  	_ =	shalt  }
0x7c: {  	_ =	shalt  }
0x7d: {  	_ =	shalt  }
0x7e: {  	_ =	shalt  }
0x7f: {  	_ =	shalt  }
0x80: {  	_ =	shalt  }
0x81: {  	_ =	shalt  }
0x82: {  	_ =	shalt  }
0x83: {  	_ =	shalt  }
0x84: {  	_ =	shalt  }
0x85: {  	_ =	shalt  }
0x86: {  	_ =	shalt  }
0x87: {  	_ =	shalt  }
.Lfunc_end0:
.L_simem_size_0:
called_computation_lowered:
.L_overlay_start_0:
0x88: {  	s2 =	sld [smem:$0x3FD9]  }
0x89: {  	s3 =	sld [smem:$0x3FFE];
	_ =	sdelay $0x1  }
0x8a: {  	s1 =	srdreg.scid  }
0x8b: {  	s0 =	sand.u32 $0x1, s1  }
0x8c: {  	s16 =	sshll.u32 s0, $0xA;
	s2 =	sadd.s32 s3, s2  }
0x8d: {  	s2 =	sadd.s32 s2, s16  }
0x8e: {  	[smem:$0x3FC5] =	sst s2  }
0x8f: {  	_ = 	snop  }
0x90: {  	(tm) =	ssettm $0x1  }
0x91: {  	s17 =	sld [smem:$0x3FFB];
	_ =	sdelay $0x3  }
0x92: {  	_ =	strace s17  }
0x93: {  	s2 =	sld [smem:$0x3FFC];
	_ =	sdelay $0x3  }
0x94: {  	_ =	strace s2  }
0x95: {  	s2 =	sld [smem:$0x3FFD];
	_ =	sdelay $0x3  }
0x96: {  	_ =	strace s2  }
0x97: {  	_ =	strace $0x8FFFFFFF  }
0x98: {  	s18 =	sld [smem:$0x3FDB];
	_ =	sdelay $0x1  }
0x99: {  	s19 =	simm.s32 $_scs_section_size  }
0x9a: {  	s4 =	simm.s32 $_size__tile_overlayer_lowered;
	s5 =	simm.s32 $_tile_overlayer_lowered  }
0x9b: {  	s22 =	simm.s32 $0x1BFF;
	s21 =	sshll.u32 s5, $0x1;
	s2 =	sadd.s32 s19, s18  }
0x9c: {  	s6 =	simm.s32 $0x0;
	s20 =	sshll.u32 s4, $0x1;
	s4 =	sadd.s32 s21, s2  }
0x9d: {  	[timem:s6], [sflag:s22] =	dma.local [hbm:s4], s20  }
0x9e: {  	_ =	swait.ge [sflag:s22], s20  }
0x9f: {  	s3 =	ssub.s32 $0x0, s20;
	[sflag:s22] =	ssyncset.done $0x0  }
0xa0: {  	[sflag:s22] =	ssyncadd.s32 s3;
	_ =	sdelay $0x1  }
0xa1: {  	s23 =	simm.s32 $0x1B8B  }
0xa2: {  	_ =	swait.ge [sflag:s23], $0x1  }
0xa3: {  	[sflag:s23] =	ssyncset.done $0x0  }
0xa4: {  	s25 =	simm.s32 $0x1B8E;
	s24 =	sld [smem:$0x3FFE];
	[sflag:s23] =	ssyncadd.s32 $0xFFFFFFFF  }
0xa5: {  	s26 =	simm.s32 $execute0_lowered;
	[smem:$0x3FD2] =	sst s25  }
0xa6: {  	s4 =	sshll.u32 s26, $0x1;
	_ =	strace $0x80000046;
	[dreg:$0x1] =	wrdreg $0xFFFFFFFF  }
0xa7: {  	s28 =	simm.s32 $_size_execute0_lowered;
	s2 =	sadd.s32 s2, s4;
	[dreg:$0x0] =	wrdreg $0x0  }
0xa8: {  	s4 =	sshll.u32 s28, $0x1;
	[dreg:$0x2] =	wrdreg s2  }
0xa9: {  	[dreg:$0x3] =	wrdreg s4  }
0xaa: {  	[dreg:$0x4] =	wrdreg $0xC0  }
0xab: {  	_ =	task [dreg:s6], $0x5FFFF  }
0xac: {  	[dreg:$0x1] =	wrdreg $0xFFFFFFFF  }
0xad: {  	[dreg:$0x0] =	wrdreg $0x60  }
0xae: {  	[dreg:$0x2] =	wrdreg s24  }
0xaf: {  	[dreg:$0x3] =	wrdreg $0x0  }
0xb0: {  	[dreg:$0x4] =	wrdreg $0x9  }
0xb1: {  	_ =	task.clear_ibuf [dreg:s6], $0x5FFFF;
	_ =	strace $0x90000046  }
0xb2: {  	s29 =	simm.s32 $0x9;
	_ =	strace $0x80000048  }
0xb3: {  	_ =	swait.ge [sflag:s29], $0x1  }
0xb4: {  	[sflag:s29] =	ssyncadd.s32 $0xFFFFFFFF  }
0xb5: {  	_ =	strace $0x90000048  }
0xb6: {  	_ =	sfence  }
0xb7: {  	s30 =	sld [smem:$0x0];
	_ =	sdelay $0x2  }
0xb8: {  	s31 =	sshll.u32 s1, $0xD;
	s1 =	sshrl.u32 s1, $0x2  }
0xb9: {  	s3 =	sand.u32 $0x4000, s31;
	s1 =	sadd.s32 s1, s30  }
0xba: {  	s0 =	sor.u32 s3, s0;
	s1 =	sshll.u32 s1, $0x11  }
0xbb: {  	s0 =	sor.u32 s1, s0  }
0xbc: {  	s0 =	sadd.s32 $0x8F2B, s0  }
0xbd: {  	[sflag:s0] =	ssyncadd.remote.s32 $0x1  }
0xbe: {  	_ =	sfence.sel $0xFFFF  }
0xbf: {  	[dreg:$0x0] =	wrdreg $0xFFFFFFFF;
	(pc) =	sbr.abs _section_cstart, $3  }
0xc0: {  	[dreg:$0x1] =	wrdreg $0xFFFFFFFF  }
0xc1: {  	_ =	task.clear_ibuf [dreg:s6], $0x2FFFF;
	_ =	strace $0x9FFFFFFF  }
0xc2: {  	(tm) =	ssettm $0x7FFFFFFF  }
0xc3: {  	_ =	shalt  }
tec
execute0_lowered:
.L_overlay_start_1:
0x0: {  	(tag) =	ssettag $0x1  }
0x1: {  	s0 =	rddreg [dreg:$0x0];
	s1 =	srdreg.scid  }
0x2: {  	s9 =	stileid.u32;
	s2 =	rddreg [dreg:$0x1];
	s3 =	simm.s32 $0x0  }
0x3: {  	s11 =	simm.s32 $0x3;
	s12 =	simm.s32 $0x8000;
	s13 =	simm.s32 $0x80  }
0x4: {  	s14 =	simm.s32 $0xC200;
	s15 =	simm.s32 $0xC400;
	s16 =	simm.s32 $0xC300  }
0x5: {  	s17 =	simm.s32 $0xE400;
	s18 =	simm.s32 $0xC280;
	s19 =	simm.s32 $0xD400  }
0x6: {  	s20 =	simm.s32 $0xC380;
	s21 =	simm.s32 $0xF400;
	s22 =	simm.s32 $0x10400  }
0x7: {  	s23 =	simm.s32 $0x0;
	s1 =	sand.u32 $0x1, s1;
	s4 =	sshll.u32 s9, $0x1  }
0x8: {  	[smem:$0x7FF] =	sst s3;
	s29 =	sshll.u32 s9, $0xF;
	s30 =	sshll.u32 s9, $0xC  }
0x9: {  	s31 =	sshll.u32 s9, $0x6;
	s4 =	sor.u32 s1, s4;
	s1 =	ssub.s32 $0x2, s1  }
0xa: {  	vm0 =	vmmov $0x1;
	vm1 =	vmmov $0x3;
	vm2 =	vmmov $0x7;
	_ =	strace $0x80000047;
	s10 =	sadd.s32 s29, s2;
	s5 =	smul.u32 $0x420, s4  }
0xb: {  	vm3 =	vmmov $0xf;
	vm4 =	vmmov $0x1f;
	vm5 =	vmmov $0x3f;
	s4 =	sshll.u32 s4, $0x1;
	s6 =	sshrl.u32 s1, $0x1;
	s10 =	sshrl.u32 s10, $0x3  }
0xc: {  	vm6 =	vmmov $0x7f;
	vm7 =	vmmov $0xff;
	vm8 =	vmmov $0x1ff;
	s8 =	sadd.s32 s4, s0;
	s1 =	ssub.s32 s1, s6;
	s4 =	sadd.s32 s0, s30  }
0xd: {  	vm9 =	vmmov $0x3ff;
	vm10 =	vmmov $0x7ff;
	vm11 =	vmmov $0xfff;
	s7 =	sadd.s32 s5, s0;
	s5 =	sor.u32 $0x1C03, s31;
	s8 =	sadd.s32 $0x20800, s8  }
0xe: {  	vm12 =	vmmov $0x1fff;
	vm13 =	vmmov $0x3fff;
	vm14 =	vmmov $0x7fff;
	s9 =	smax.u32 s1, $0x1;
	s6 =	sadd.s32 $0x10000, s7;
	s7 =	sadd.s32 $0x18400, s7  }
.LBB2_1:
0xf: {  	[spmem:s10], [sflag:s5] =	dma.local [hbm:s4], $0x1000  }
0x10: {  	_ =	swait.ge [sflag:s11], $0x1000  }
0x11: {  	[sflag:s11] =	ssyncset.done $0x0  }
0x12: {  	[sflag:s11] =	ssyncadd.s32 $0xFFFFF000  }
0x13: {  	[tilespmem:s12], [sflag:$0x3] =	stream.linear.gather [hbm4b:s6+s3], $0x2100, $0x38;
	[tilespmem:$0x10410] =	vst v63  }
0x14: {  	_ =	swait.ge [sflag:s11], $0x2100  }
0x15: {  	[sflag:s11] =	ssyncset.done $0x0  }
0x16: {  	s24 =	simm.s32 $0xA100;
	[sflag:s11] =	ssyncadd.s32 $0xFFFFDF00  }
0x17: {  	[tilespmem:s24], [sflag:$0x3] =	stream.linear.gather [hbm4b:s7+s3], $0x2100, $0x38;
	[tilespmem:$0x10410] =	vst v63  }
0x18: {  	_ =	swait.ge [sflag:s11], $0x2100  }
0x19: {  	[sflag:s11] =	ssyncset.done $0x0  }
0x1a: {  	[sflag:s11] =	ssyncadd.s32 $0xFFFFDF00  }
0x1b: {  	[bflag:$0x0] =	sbarrier.arrive $0xFFFF  }
0x1c: {  	v0 =	vld [tilespmem:$0x8000];
	_ =	sdelay $0x1  }
0x1d: {  	v1 =	vld [tilespmem:$0x8010];
	_ =	sdelay $0x1  }
0x1e: {  	v2 =	vld [tilespmem:$0x8020]  }
0x1f: {  	v3 =	vand.u32 $0x3FFF, v0  }
0x20: {  	v0 =	vshrl.u32 v0, $0xE;
	[tilespmem:$0xC200] =	vst v3;
	v3 =	vld [tilespmem:$0x8030]  }
0x21: {  	[tilespmem:$0xC300] =	vst v0;
	v0 =	vand.u32 $0x3FFF, v1  }
0x22: {  	[tilespmem:$0xC210] =	vst v0;
	v0 =	vshrl.u32 v1, $0xE;
	v1 =	vld [tilespmem:$0x8040]  }
0x23: {  	[tilespmem:$0xC310] =	vst v0;
	v0 =	vand.u32 $0x3FFF, v2  }
0x24: {  	[tilespmem:$0xC220] =	vst v0;
	v0 =	vshrl.u32 v2, $0xE;
	v2 =	vld [tilespmem:$0x8050]  }
0x25: {  	[tilespmem:$0xC320] =	vst v0;
	v0 =	vand.u32 $0x3FFF, v3  }
0x26: {  	[tilespmem:$0xC230] =	vst v0;
	v0 =	vshrl.u32 v3, $0xE;
	v3 =	vld [tilespmem:$0x8060]  }
0x27: {  	[tilespmem:$0xC330] =	vst v0;
	v0 =	vand.u32 $0x3FFF, v1  }
0x28: {  	[tilespmem:$0xC240] =	vst v0;
	v0 =	vshrl.u32 v1, $0xE;
	v1 =	vld [tilespmem:$0x8070]  }
0x29: {  	[tilespmem:$0xC340] =	vst v0;
	v0 =	vand.u32 $0x3FFF, v2  }
0x2a: {  	[tilespmem:$0xC250] =	vst v0;
	v0 =	vshrl.u32 v2, $0xE  }
0x2b: {  	[tilespmem:$0xC350] =	vst v0;
	v0 =	vand.u32 $0x3FFF, v3  }
0x2c: {  	[tilespmem:$0xC260] =	vst v0;
	v0 =	vshrl.u32 v3, $0xE  }
0x2d: {  	[tilespmem:$0xC360] =	vst v0;
	v0 =	vand.u32 $0x3FFF, v1  }
0x2e: {  	[tilespmem:$0xC270] =	vst v0;
	v0 =	vshrl.u32 v1, $0xE  }
0x2f: {  	[tilespmem:$0xC370] =	vst v0  }
0x30: {  	[tilespmem:s15], [sflag:$0x1] =	stream.indirect.gather [spmem:s2], $0x20, s14, s13, $0xb8;
	[tilespmem:$0x10410] =	vst v63  }
0x31: {  	_ = 	snop  }
0x32: {  	[tilespmem:s17], [sflag:$0x1] =	stream.indirect.gather [spmem:s2], $0x20, s16, s13, $0xb8;
	[tilespmem:$0x10410] =	vst v63  }
0x33: {  	v0 =	vld [tilespmem:$0x8080];
	_ =	sdelay $0x1  }
0x34: {  	v1 =	vld [tilespmem:$0x8090];
	_ =	sdelay $0x1  }
0x35: {  	v2 =	vld [tilespmem:$0x80A0]  }
0x36: {  	v3 =	vand.u32 $0x3FFF, v0  }
0x37: {  	v0 =	vshrl.u32 v0, $0xE;
	[tilespmem:$0xC280] =	vst v3;
	v3 =	vld [tilespmem:$0x80B0]  }
0x38: {  	[tilespmem:$0xC380] =	vst v0;
	v0 =	vand.u32 $0x3FFF, v1  }
0x39: {  	[tilespmem:$0xC290] =	vst v0;
	v0 =	vshrl.u32 v1, $0xE;
	v1 =	vld [tilespmem:$0x80C0]  }
0x3a: {  	[tilespmem:$0xC390] =	vst v0;
	v0 =	vand.u32 $0x3FFF, v2  }
0x3b: {  	[tilespmem:$0xC2A0] =	vst v0;
	v0 =	vshrl.u32 v2, $0xE;
	v2 =	vld [tilespmem:$0x80D0]  }
0x3c: {  	[tilespmem:$0xC3A0] =	vst v0;
	v0 =	vand.u32 $0x3FFF, v3  }
0x3d: {  	[tilespmem:$0xC2B0] =	vst v0;
	v0 =	vshrl.u32 v3, $0xE;
	v3 =	vld [tilespmem:$0x80E0]  }
0x3e: {  	[tilespmem:$0xC3B0] =	vst v0;
	v0 =	vand.u32 $0x3FFF, v1  }
0x3f: {  	[tilespmem:$0xC2C0] =	vst v0;
	v0 =	vshrl.u32 v1, $0xE;
	v1 =	vld [tilespmem:$0x80F0]  }
0x40: {  	[tilespmem:$0xC3C0] =	vst v0;
	v0 =	vand.u32 $0x3FFF, v2  }
0x41: {  	[tilespmem:$0xC2D0] =	vst v0;
	v0 =	vshrl.u32 v2, $0xE  }
0x42: {  	[tilespmem:$0xC3D0] =	vst v0;
	v0 =	vand.u32 $0x3FFF, v3  }
0x43: {  	[tilespmem:$0xC2E0] =	vst v0;
	v0 =	vshrl.u32 v3, $0xE  }
0x44: {  	[tilespmem:$0xC3E0] =	vst v0;
	v0 =	vand.u32 $0x3FFF, v1  }
0x45: {  	[tilespmem:$0xC2F0] =	vst v0;
	v0 =	vshrl.u32 v1, $0xE  }
0x46: {  	[tilespmem:$0xC3F0] =	vst v0  }
0x47: {  	[tilespmem:s19], [sflag:$0x2] =	stream.indirect.gather [spmem:s2], $0x20, s18, s13, $0xb8;
	[tilespmem:$0x10410] =	vst v63  }
0x48: {  	p0 =	por $0x0, $0x0;
	s25 =	simm.s32 $0x0  }
0x49: {  	v2 =	vimm.f32 $0.0e+00;
	[tilespmem:s21], [sflag:$0x2] =	stream.indirect.gather [spmem:s2], $0x20, s20, s13, $0xb8;
	[tilespmem:$0x10410] =	vst v63  }
.LBB2_2:
0x4a: {  	s0 =	simm.s32 $0x1  }
0x4b: {  	s28 =	sand.u32 $0x1, s25;
	s0 =	simm.s32 @!p0 $0x0  }
0x4c: {  	s26 =	sadd.s32 $0x1, s28;
	s0 =	sshll.u32 s0, $0xC  }
0x4d: {  	_ =	swait.ge [sflag:s26], $0x1000;
	s1 =	sor.u32 $0xC500, s0  }
0x4e: {  	s0 =	sor.u32 $0xE500, s0;
	[sflag:s26] =	ssyncset.done $0x0;
	v0 =	vmov s1  }
0x4f: {  	[sflag:s26] =	ssyncadd.s32 $0xFFFFF000;
	v1 =	vmov s0  }
0x50: {  	_ =	swait.ge [sflag:s26], $0x1000  }
0x51: {  	[sflag:s26] =	ssyncset.done $0x0  }
0x52: {  	s1 =	simm.s32 $0x0;
	[sflag:s26] =	ssyncadd.s32 $0xFFFFF000  }
0x53: {  	v3 =	vld.idx.msk [tilespmem:v0+s1+$0xF0 ss:$0x1], $0xffff  }
0x54: {  	v4 =	vld.idx.msk [tilespmem:v1+s1+$0xF0 ss:$0x1], $0xffff  }
0x55: {  	v5 =	vld.idx.msk [tilespmem:v0+s1+$0xE0 ss:$0x1], $0xffff  }
0x56: {  	v6 =	vld.idx.msk [tilespmem:v1+s1+$0xE0 ss:$0x1], $0xffff  }
0x57: {  	v7 =	vld.idx.msk [tilespmem:v0+s1+$0xD0 ss:$0x1], $0xffff  }
0x58: {  	v8 =	vld.idx.msk [tilespmem:v1+s1+$0xD0 ss:$0x1], $0xffff  }
0x59: {  	v9 =	vld.idx.msk [tilespmem:v0+s1+$0xB0 ss:$0x1], $0xffff  }
0x5a: {  	v10 =	vld.idx.msk [tilespmem:v1+s1+$0xB0 ss:$0x1], $0xffff  }
0x5b: {  	v11 =	vld.idx.msk [tilespmem:v0+s1+$0x90 ss:$0x1], $0xffff  }
0x5c: {  	v12 =	vld.idx.msk [tilespmem:v1+s1+$0x90 ss:$0x1], $0xffff  }
0x5d: {  	v13 =	vld.idx.msk [tilespmem:v0+s1+$0xC0 ss:$0x1], $0xffff  }
0x5e: {  	v14 =	vld.idx.msk [tilespmem:v1+s1+$0xC0 ss:$0x1], $0xffff  }
0x5f: {  	v15 =	vld.idx.msk [tilespmem:v0+s1+$0x70 ss:$0x1], $0xffff  }
0x60: {  	v16 =	vld.idx.msk [tilespmem:v1+s1+$0x70 ss:$0x1], $0xffff  }
0x61: {  	v17 =	vld.idx.msk [tilespmem:v0+s1+$0xA0 ss:$0x1], $0xffff  }
0x62: {  	v18 =	vld.idx.msk [tilespmem:v1+s1+$0xA0 ss:$0x1], $0xffff  }
0x63: {  	v19 =	vld.idx.msk [tilespmem:v0+s1+$0x50 ss:$0x1], $0xffff  }
0x64: {  	v20 =	vld.idx.msk [tilespmem:v1+s1+$0x50 ss:$0x1], $0xffff  }
0x65: {  	v21 =	vld.idx.msk [tilespmem:v0+s1+$0x80 ss:$0x1], $0xffff  }
0x66: {  	v22 =	vld.idx.msk [tilespmem:v1+s1+$0x80 ss:$0x1], $0xffff  }
0x67: {  	v23 =	vld.idx.msk [tilespmem:v0+s1+$0x30 ss:$0x1], $0xffff  }
0x68: {  	v24 =	vld.idx.msk [tilespmem:v1+s1+$0x30 ss:$0x1], $0xffff  }
0x69: {  	v25 =	vld.idx.msk [tilespmem:v0+s1+$0x60 ss:$0x1], $0xffff  }
0x6a: {  	v26 =	vld.idx.msk [tilespmem:v1+s1+$0x60 ss:$0x1], $0xffff  }
0x6b: {  	v27 =	vld.idx.msk [tilespmem:v0+s1+$0x10 ss:$0x1], $0xffff  }
0x6c: {  	v28 =	vld.idx.msk [tilespmem:v1+s1+$0x10 ss:$0x1], $0xffff  }
0x6d: {  	v29 =	vld.idx.msk [tilespmem:v0+s1+$0x40 ss:$0x1], $0xffff  }
0x6e: {  	v30 =	vld.idx.msk [tilespmem:v1+s1+$0x40 ss:$0x1], $0xffff  }
0x6f: {  	v31 =	vld.idx.msk [tilespmem:v0+s1+$0xFFFFFFF0 ss:$0x1], $0xffff  }
0x70: {  	v32 =	vld.idx.msk [tilespmem:v1+s1+$0xFFFFFFF0 ss:$0x1], $0xffff  }
0x71: {  	v33 =	vld.idx.msk [tilespmem:v0+s1+$0x20 ss:$0x1], $0xffff  }
0x72: {  	v34 =	vld.idx.msk [tilespmem:v1+s1+$0x20 ss:$0x1], $0xffff  }
0x73: {  	v35 =	vld.idx.msk [tilespmem:v0+s1+$0xFFFFFFD0 ss:$0x1], $0xffff  }
0x74: {  	v36 =	vld.idx.msk [tilespmem:v1+s1+$0xFFFFFFD0 ss:$0x1], $0xffff  }
0x75: {  	v37 =	vld.idx.msk [tilespmem:v0+s1+$0x0 ss:$0x1], $0xffff  }
0x76: {  	v38 =	vld.idx.msk [tilespmem:v1+s1+$0x0 ss:$0x1], $0xffff  }
0x77: {  	v39 =	vld.idx.msk [tilespmem:v0+s1+$0xFFFFFFB0 ss:$0x1], $0xffff  }
0x78: {  	v40 =	vld.idx.msk [tilespmem:v1+s1+$0xFFFFFFB0 ss:$0x1], $0xffff  }
0x79: {  	v41 =	vld.idx.msk [tilespmem:v0+s1+$0xFFFFFFE0 ss:$0x1], $0xffff  }
0x7a: {  	v42 =	vld.idx.msk [tilespmem:v1+s1+$0xFFFFFFE0 ss:$0x1], $0xffff  }
0x7b: {  	v43 =	vld.idx.msk [tilespmem:v0+s1+$0xFFFFFF90 ss:$0x1], $0xffff  }
0x7c: {  	v44 =	vld.idx.msk [tilespmem:v1+s1+$0xFFFFFF90 ss:$0x1], $0xffff  }
0x7d: {  	v45 =	vld.idx.msk [tilespmem:v0+s1+$0xFFFFFFC0 ss:$0x1], $0xffff  }
0x7e: {  	v46 =	vld.idx.msk [tilespmem:v1+s1+$0xFFFFFFC0 ss:$0x1], $0xffff  }
0x7f: {  	v47 =	vld.idx.msk [tilespmem:v0+s1+$0xFFFFFF70 ss:$0x1], $0xffff  }
0x80: {  	v48 =	vld.idx.msk [tilespmem:v1+s1+$0xFFFFFF70 ss:$0x1], $0xffff;
	v3 =	vsub.bf16 v3, v4;
	v57 =	vsub.bf16 v7, v8  }
0x81: {  	v49 =	vld.idx.msk [tilespmem:v0+s1+$0xFFFFFFA0 ss:$0x1], $0xffff;
	v4 =	vsub.bf16 v5, v6;
	v12 =	vsub.bf16 v11, v12  }
0x82: {  	v50 =	vld.idx.msk [tilespmem:v1+s1+$0xFFFFFFA0 ss:$0x1], $0xffff;
	v5 =	vsub.bf16 v9, v10;
	v10 =	vsub.bf16 v15, v16  }
0x83: {  	v51 =	vld.idx.msk [tilespmem:v0+s1+$0xFFFFFF50 ss:$0x1], $0xffff;
	v14 =	vsub.bf16 v13, v14;
	v7 =	vsub.bf16 v19, v20  }
0x84: {  	v52 =	vld.idx.msk [tilespmem:v1+s1+$0xFFFFFF50 ss:$0x1], $0xffff;
	v6 =	vsub.bf16 v17, v18;
	v18 =	vsub.bf16 v23, v24  }
0x85: {  	v53 =	vld.idx.msk [tilespmem:v0+s1+$0xFFFFFF80 ss:$0x1], $0xffff;
	v19 =	vsub.bf16 v21, v22;
	v22 =	vsub.bf16 v27, v28  }
0x86: {  	v54 =	vld.idx.msk [tilespmem:v1+s1+$0xFFFFFF80 ss:$0x1], $0xffff;
	v27 =	vsub.bf16 v25, v26;
	v11 =	vsub.bf16 v29, v30  }
0x87: {  	v55 =	vld.idx.msk [tilespmem:v0+s1+$0xFFFFFF10 ss:$0x1], $0xffff;
	v15 =	vsub.bf16 v31, v32;
	v29 =	vsub.bf16 v33, v34  }
0x88: {  	v56 =	vld.idx.msk [tilespmem:v1+s1+$0xFFFFFF10 ss:$0x1], $0xffff;
	v31 =	vsub.bf16 v35, v36;
	v32 =	vsub.bf16 v37, v38  }
0x89: {  	v33 =	vsub.bf16 v39, v40;
	v21 =	vsub.bf16 v41, v42  }
0x8a: {  	v24 =	vsub.bf16 v43, v44;
	v35 =	vsub.bf16 v45, v46  }
0x8b: {  	v36 =	vsub.bf16 v47, v48;
	v37 =	vsub.bf16 v49, v50  }
0x8c: {  	v38 =	vsub.bf16 v51, v52;
	v26 =	vsub.bf16 v53, v54  }
0x8d: {  	v39 =	vsub.bf16 v55, v56;
	v34 =	vunpack.i.u.bf16.f32 v57;
	v41 =	vunpack.i.u.bf16.f32 v12  }
0x8e: {  	v59 =	vunpack.i.l.bf16.f32 v57;
	v43 =	vunpack.i.u.bf16.f32 v10;
	v12 =	vunpack.i.l.bf16.f32 v12  }
0x8f: {  	v60 =	vunpack.i.u.bf16.f32 v14;
	v14 =	vunpack.i.l.bf16.f32 v14;
	v45 =	vunpack.i.u.bf16.f32 v18  }
0x90: {  	v10 =	vunpack.i.l.bf16.f32 v10;
	v46 =	vunpack.i.u.bf16.f32 v22;
	v61 =	vunpack.i.u.bf16.f32 v19  }
0x91: {  	v58 =	vld.idx.msk [tilespmem:v1+s1+$0xFFFFFF20 ss:$0x1], $0xffff;
	v19 =	vunpack.i.l.bf16.f32 v19;
	v18 =	vunpack.i.l.bf16.f32 v18;
	v62 =	vunpack.i.u.bf16.f32 v27  }
0x92: {  	v8 =	vld.idx.msk [tilespmem:v0+s1+$0xFFFFFF30 ss:$0x1], $0xffff;
	v27 =	vunpack.i.l.bf16.f32 v27;
	v49 =	vunpack.i.u.bf16.f32 v31;
	v22 =	vunpack.i.l.bf16.f32 v22  }
0x93: {  	v9 =	vld.idx.msk [tilespmem:v1+s1+$0xFFFFFF30 ss:$0x1], $0xffff;
	v50 =	vunpack.i.u.bf16.f32 v33;
	v63 =	vunpack.i.u.bf16.f32 v29;
	v14 =	vmul.f32 v14, v14  }
0x94: {  	v13 =	vld.idx.msk [tilespmem:v0+s1+$0xFFFFFF60 ss:$0x1], $0xffff;
	v31 =	vunpack.i.l.bf16.f32 v31;
	v44 =	vmul.f32 v60, v60;
	v42 =	vmul.f32 v59, v59  }
0x95: {  	v16 =	vld.idx.msk [tilespmem:v1+s1+$0xFFFFFF60 ss:$0x1], $0xffff;
	v29 =	vunpack.i.l.bf16.f32 v29;
	v19 =	vmul.f32 v19, v19;
	v47 =	vmul.f32 v61, v61  }
0x96: {  	v17 =	vld.idx.msk [tilespmem:v0+s1+$0xFFFFFF40 ss:$0x1], $0xffff;
	v57 =	vunpack.i.u.bf16.f32 v32;
	v34 =	vmul.f32 v34, v34;
	v12 =	vmul.f32 v12, v12  }
0x97: {  	v20 =	vld.idx.msk [tilespmem:v1+s1+$0xFFFFFF40 ss:$0x1], $0xffff;
	v33 =	vunpack.i.l.bf16.f32 v33;
	v27 =	vmul.f32 v27, v27;
	v60 =	vmul.f32 v62, v62  }
0x98: {  	v23 =	vld.idx.msk [tilespmem:v0+s1+$0xFFFFFF00 ss:$0x1], $0xffff;
	v32 =	vunpack.i.l.bf16.f32 v32;
	v10 =	vmul.f32 v10, v10;
	v29 =	vmul.f32 v29, v29  }
0x99: {  	v28 =	vld.idx.msk [tilespmem:v1+s1+$0xFFFFFF00 ss:$0x1], $0xffff;
	v54 =	vunpack.i.u.bf16.f32 v21;
	v61 =	vmul.f32 v63, v63;
	v18 =	vmul.f32 v18, v18  }
0x9a: {  	v30 =	vld.idx.msk [tilespmem:v0+s1+$0xFFFFFF20 ss:$0x1], $0xffff;
	v59 =	vunpack.i.u.bf16.f32 v35;
	v32 =	vmul.f32 v32, v32;
	v63 =	vmul.f32 v57, v57  }
0x9b: {  	v35 =	vunpack.i.l.bf16.f32 v35;
	v22 =	vmul.f32 v22, v22;
	v31 =	vmul.f32 v31, v31  }
0x9c: {  	v62 =	vunpack.i.u.bf16.f32 v37;
	v49 =	vmul.f32 v49, v49;
	v33 =	vmul.f32 v33, v33  }
0x9d: {  	v55 =	vmul.f32 v50, v50;
	v25 =	vsub.bf16 v8, v9;
	v9 =	vsub.bf16 v13, v16  }
0x9e: {  	v35 =	vmul.f32 v35, v35;
	v16 =	vsub.bf16 v23, v28;
	v40 =	vsub.bf16 v17, v20  }
0x9f: {  	v20 =	vsub.bf16 v30, v58;
	v8 =	vunpack.i.u.bf16.f32 v5;
	v17 =	vunpack.i.u.bf16.f32 v6  }
0xa0: {  	v23 =	vunpack.i.u.bf16.f32 v15;
	v28 =	vunpack.i.u.bf16.f32 v11;
	v30 =	vunpack.i.u.bf16.f32 v24  }
0xa1: {  	v58 =	vunpack.i.u.bf16.f32 v36;
	v14 =	vadd.f32 v14, v44;
	v19 =	vadd.f32 v19, v47  }
0xa2: {  	v44 =	vunpack.i.u.bf16.f32 v38;
	v27 =	vadd.f32 v27, v60;
	v29 =	vadd.f32 v29, v61  }
0xa3: {  	v47 =	vmul.f32 v46, v46;
	v6 =	vunpack.i.l.bf16.f32 v6;
	v58 =	vmul.f32 v58, v58  }
0xa4: {  	v32 =	vadd.f32 v32, v63;
	v30 =	vmul.f32 v30, v30;
	v6 =	vmul.f32 v6, v6  }
0xa5: {  	v17 =	vmul.f32 v17, v17;
	v14 =	vadd.f32 v42, v14;
	v12 =	vadd.f32 v12, v19  }
0xa6: {  	v19 =	vmul.f32 v41, v41;
	v41 =	vunpack.i.u.bf16.f32 v25;
	v10 =	vadd.f32 v10, v27  }
0xa7: {  	v27 =	vmul.f32 v43, v43;
	v18 =	vadd.f32 v18, v29;
	v29 =	vmul.f32 v45, v45  }
0xa8: {  	v43 =	vunpack.i.l.bf16.f32 v38;
	v45 =	vmul.f32 v59, v59;
	v22 =	vadd.f32 v22, v32  }
0xa9: {  	v48 =	vunpack.i.u.bf16.f32 v9;
	v9 =	vunpack.i.l.bf16.f32 v9;
	v52 =	vunpack.i.u.bf16.f32 v40  }
0xaa: {  	v57 =	vunpack.i.u.bf16.f32 v16;
	v51 =	vmul.f32 v9, v9;
	v32 =	vmul.f32 v48, v48  }
0xab: {  	v61 =	vunpack.i.u.bf16.f32 v20;
	v59 =	vmul.f32 v43, v43;
	v60 =	vmul.f32 v57, v57  }
0xac: {  	v38 =	vmul.f32 v61, v61;
	v43 =	vunpack.i.l.bf16.f32 v25;
	v48 =	vunpack.i.l.bf16.f32 v24  }
0xad: {  	v14 =	vadd.f32 v14, v34;
	v34 =	vunpack.i.u.bf16.f32 v39;
	v12 =	vadd.f32 v12, v19  }
0xae: {  	v19 =	vunpack.i.l.bf16.f32 v36;
	v27 =	vadd.f32 v10, v27;
	v10 =	vunpack.i.l.bf16.f32 v37  }
0xaf: {  	v18 =	vadd.f32 v18, v29;
	v29 =	vunpack.i.u.bf16.f32 v26;
	v39 =	vunpack.i.l.bf16.f32 v39  }
0xb0: {  	s1 =	simm.s32 $0x200;
	v35 =	vadd.f32 v35, v45;
	v36 =	vmul.f32 v62, v62;
	v62 =	vmul.f32 v44, v44  }
0xb1: {  	v9 =	vld.idx.msk [tilespmem:v0+s1+$0xF0 ss:$0x1], $0xffff;
	v22 =	vadd.f32 v22, v47;
	v47 =	vmul.f32 v41, v41;
	v10 =	vmul.f32 v10, v10  }
0xb2: {  	v25 =	vld.idx.msk [tilespmem:v1+s1+$0x90 ss:$0x1], $0xffff;
	v45 =	vunpack.i.l.bf16.f32 v26;
	v19 =	vmul.f32 v19, v19;
	v63 =	vmul.f32 v39, v39  }
0xb3: {  	v24 =	vld.idx.msk [tilespmem:v0+s1+$0x70 ss:$0x1], $0xffff;
	v32 =	vadd.f32 v51, v32;
	v29 =	vmul.f32 v29, v29;
	v51 =	vmul.f32 v54, v54  }
0xb4: {  	v26 =	vld.idx.msk [tilespmem:v0+s1+$0xC0 ss:$0x1], $0xffff;
	v54 =	vunpack.i.l.bf16.f32 v11;
	v31 =	vadd.f32 v31, v35;
	(xrf2) =	vadd.scan.msk.f32 $0xffff, v14;
	v14 =	vunpack.i.l.bf16.f32 v40  }
0xb5: {  	v41 =	vld.idx.msk [tilespmem:v0+s1+$0x60 ss:$0x1], $0xffff;
	v35 =	vmul.f32 v52, v52;
	v52 =	vunpack.i.l.bf16.f32 v15;
	v10 =	vadd.f32 v10, v36;
	(xrf2) =	vadd.scan.msk.f32 $0xffff, v12  }
0xb6: {  	v37 =	vld.idx.msk [tilespmem:v1+s1+$0xFFFFFFB0 ss:$0x1], $0xffff;
	v56 =	vmul.f32 v14, v14;
	v19 =	vadd.f32 v19, v32;
	(xrf2) =	vadd.scan.msk.f32 $0xffff, v27;
	v27 =	vunpack.i.l.bf16.f32 v16  }
0xb7: {  	v36 =	vmul.f32 v45, v45;
	v31 =	vadd.f32 v31, v49;
	v27 =	vmul.f32 v27, v27;
	(xrf2) =	vadd.scan.msk.f32 $0xffff, v18  }
0xb8: {  	v11 =	vld.idx.msk [tilespmem:v0+s1+$0x50 ss:$0x1], $0xffff;
	v33 =	vadd.f32 v33, v10;
	v35 =	vadd.f32 v56, v35;
	(xrf2) =	vadd.scan.msk.f32 $0xffff, v22;
	v22 =	vunpack.i.l.bf16.f32 v20  }
0xb9: {  	v39 =	vld.idx.msk [tilespmem:v0+s1+$0x30 ss:$0x1], $0xffff;
	v32 =	vadd.f32 v19, v58;
	v27 =	vadd.f32 v27, v60;
	v42 =	vmul.f32 v22, v22  }
0xba: {  	v33 =	vadd.f32 v33, v55;
	v35 =	vadd.f32 v59, v35;
	(xrf2) =	vadd.scan.msk.f32 $0xffff, v31;
	v31 =	vmul.f32 v34, v34  }
0xbb: {  	v15 =	vld.idx.msk [tilespmem:v1+s1+$0xA0 ss:$0x1], $0xffff;
	v34 =	vmul.f32 v43, v43;
	v27 =	vadd.f32 v63, v27;
	v44 =	vadd.f32 v42, v38  }
0xbc: {  	v5 =	vunpack.i.l.bf16.f32 v5;
	v40 =	vld.idx.msk [tilespmem:v1+s1+$0x30 ss:$0x1], $0xffff;
	v49 =	vadd.f32 v36, v29;
	v35 =	vadd.f32 v35, v62;
	(xrf2) =	vadd.scan.msk.f32 $0xffff, v33  }
0xbd: {  	(xrf2) =	vadd.scan.msk.f32 $0xffff, v32;
	v31 =	vadd.f32 v27, v31;
	v46 =	vadd.f32 v34, v44;
	v34 =	vmul.f32 v48, v48  }
0xbe: {  	v5 =	vmul.f32 v5, v5;
	v6 =	vadd.f32 v6, v17;
	v12 =	vld.idx.msk [tilespmem:v0+s1+$0xE0 ss:$0x1], $0xffff;
	(xrf2) =	vadd.scan.msk.f32 $0xffff, v35  }
0xbf: {  	v13 =	vunpack.i.u.bf16.f32 v7;
	v14 =	vld.idx.msk [tilespmem:v1+s1+$0xE0 ss:$0x1], $0xffff;
	v32 =	vadd.f32 v46, v47;
	(xrf2) =	vadd.scan.msk.f32 $0xffff, v31;
	v31 =	vadd.f32 v34, v49  }
0xc0: {  	v8 =	vmul.f32 v8, v8;
	v5 =	vadd.f32 v5, v6;
	v45 =	vld.idx.msk [tilespmem:v1+s1+$0x10 ss:$0x1], $0xffff;
	v29 =	vunpack.i.l.bf16.f32 v21  }
0xc1: {  	v56 =	vmul.f32 v28, v28;
	v53, _, _ =	vpop (xrf2);
	(xrf2) =	vadd.scan.msk.f32 $0xffff, v32;
	v30 =	vadd.f32 v31, v30;
	v31 =	vmul.f32 v54, v54  }
0xc2: {  	v7 =	vunpack.i.l.bf16.f32 v7;
	v5 =	vadd.f32 v5, v8;
	v8 =	vld.idx.msk [tilespmem:v0+s1+$0x40 ss:$0x1], $0xffff;
	v50 =	vmul.f32 v29, v29;
	v55, _, _ =	vpop (xrf2)  }
0xc3: {  	v7 =	vmul.f32 v7, v7;
	v16 =	vld.idx.msk [tilespmem:v0+s1+$0xD0 ss:$0x1], $0xffff;
	v57, _, _ =	vpop (xrf2);
	v31 =	vadd.f32 v31, v56  }
0xc4: {  	v10 =	vld.idx.msk [tilespmem:v1+s1+$0xF0 ss:$0x1], $0xffff;
	v33 =	vadd.f32 v50, v51;
	v34 =	vmul.f32 v52, v52;
	v59, _, _ =	vpop (xrf2)  }
0xc5: {  	v13 =	vmul.f32 v13, v13;
	v18 =	vld.idx.msk [tilespmem:v1+s1+$0xD0 ss:$0x1], $0xffff;
	(xrf2) =	vadd.scan.msk.f32 $0xffff, v30;
	v30, _, _ =	vpop (xrf2);
	v7 =	vadd.f32 v7, v31  }
0xc6: {  	v19 =	vld.idx.msk [tilespmem:v0+s1+$0xB0 ss:$0x1], $0xffff;
	v58 =	vmul.f32 v23, v23;
	v33 =	vadd.f32 v34, v33;
	v60, _, _ =	vpop (xrf2)  }
0xc7: {  	v17 =	vunpack.i.u.bf16.f32 v4;
	v21 =	vld.idx.msk [tilespmem:v1+s1+$0x70 ss:$0x1], $0xffff;
	v31, _, _ =	vpop (xrf2);
	v7 =	vadd.f32 v7, v13  }
0xc8: {  	v28 =	vld.idx.msk [tilespmem:v1+s1+$0x50 ss:$0x1], $0xffff;
	v33 =	vadd.f32 v33, v58;
	v61, _, _ =	vpop (xrf2)  }
0xc9: {  	v23 =	vld.idx.msk [tilespmem:v0+s1+$0x80 ss:$0x1], $0xffff;
	v13, _, _ =	vpop (xrf2)  }
0xca: {  	v6 =	vmul.f32 v17, v17;
	v36 =	vld.idx.msk [tilespmem:v1+s1+$0x80 ss:$0x1], $0xffff;
	(xrf2) =	vadd.scan.msk.f32 $0xffff, v33;
	v17, _, _ =	vpop (xrf2)  }
0xcb: {  	v20 =	vld.idx.msk [tilespmem:v1+s1+$0xB0 ss:$0x1], $0xffff;
	(xrf2) =	vadd.scan.msk.f32 $0xffff, v7;
	v7, _, _ =	vpop (xrf2)  }
0xcc: {  	v4 =	vunpack.i.l.bf16.f32 v4;
	v29 =	vld.idx.msk [tilespmem:v0+s1+$0xA0 ss:$0x1], $0xffff;
	v7 =	vbroadcast v7, $0xF  }
0xcd: {  	v4 =	vmul.f32 v4, v4;
	v22 =	vld.idx.msk [tilespmem:v0+s1+$0x90 ss:$0x1], $0xffff  }
0xce: {  	v43 =	vld.idx.msk [tilespmem:v0+s1+$0x10 ss:$0x1], $0xffff;
	v62 =	vunpack.i.l.bf16.f32 v3;
	v17 =	vbroadcast v17, $0xF  }
0xcf: {  	v4 =	vadd.f32 v4, v6;
	v42 =	vld.idx.msk [tilespmem:v1+s1+$0x60 ss:$0x1], $0xffff;
	v3 =	vunpack.i.u.bf16.f32 v3;
	v6 =	vmul.f32 v62, v62  }
0xd0: {  	v38 =	vld.idx.msk [tilespmem:v1+s1+$0x0 ss:$0x1], $0xffff;
	v3 =	vmul.f32 v3, v3;
	(xrf2) =	vadd.scan.msk.f32 $0xffff, v5;
	v5 =	vsel vm0, v17, v7;
	v7, _, _ =	vpop (xrf2)  }
0xd1: {  	v50 =	vld.idx.msk [tilespmem:v0+s1+$0xFFFFFFC0 ss:$0x1], $0xffff;
	v4 =	vadd.f32 v6, v4;
	v13 =	vbroadcast v13, $0xF;
	v7 =	vbroadcast v7, $0xF  }
0xd2: {  	v63 =	vld.idx.msk [tilespmem:v1+s1+$0xFFFFFF00 ss:$0x1], $0xffff;
	v6 =	vbroadcast v61, $0xF  }
0xd3: {  	v16 =	vsub.bf16 v16, v18;
	v18 =	vld.idx.msk [tilespmem:v1+s1+$0xFFFFFF10 ss:$0x1], $0xffff;
	v3 =	vadd.f32 v4, v3;
	v5 =	vsel vm1, v5, v13  }
0xd4: {  	v27 =	vld.idx.msk [tilespmem:v1+s1+$0xC0 ss:$0x1], $0xffff;
	v4 =	vsel vm2, v5, v6;
	v5 =	vbroadcast v31, $0xF;
	v6 =	vbroadcast v60, $0xF  }
0xd5: {  	v44 =	vld.idx.msk [tilespmem:v1+s1+$0x40 ss:$0x1], $0xffff;
	v4 =	vsel vm3, v4, v7;
	v7, _, _ =	vpop (xrf2)  }
0xd6: {  	v48 =	vld.idx.msk [tilespmem:v1+s1+$0xFFFFFFE0 ss:$0x1], $0xffff;
	(xrf2) =	vadd.scan.msk.f32 $0xffff, v3;
	v3 =	vsel vm4, v4, v5;
	v4 =	vbroadcast v7, $0xF  }
0xd7: {  	v35 =	vld.idx.msk [tilespmem:v0+s1+$0xFFFFFF90 ss:$0x1], $0xffff;
	v5 =	vbroadcast v30, $0xF;
	v3 =	vsel vm5, v3, v6  }
0xd8: {  	v25 =	vsub.bf16 v22, v25;
	v22 =	vld.idx.msk [tilespmem:v1+s1+$0xFFFFFF60 ss:$0x1], $0xffff;
	v6, _, _ =	vpop (xrf2);
	v3 =	vsel vm6, v3, v4;
	v4 =	vbroadcast v59, $0xF  }
0xd9: {  	v46 =	vld.idx.msk [tilespmem:v0+s1+$0xFFFFFFF0 ss:$0x1], $0xffff;
	v3 =	vsel vm7, v3, v5;
	v5 =	vbroadcast v6, $0xF  }
0xda: {  	v47 =	vld.idx.msk [tilespmem:v0+s1+$0xFFFFFFB0 ss:$0x1], $0xffff;
	v3 =	vsel vm8, v3, v4;
	v4 =	vbroadcast v57, $0xF  }
0xdb: {  	v49 =	vld.idx.msk [tilespmem:v1+s1+$0xFFFFFF90 ss:$0x1], $0xffff;
	v6, _, _ =	vpop (xrf2);
	v3 =	vsel vm9, v3, v5  }
0xdc: {  	v34 =	vld.idx.msk [tilespmem:v1+s1+$0xFFFFFFD0 ss:$0x1], $0xffff;
	v5 =	vbroadcast v55, $0xF;
	v3 =	vsel vm10, v3, v4;
	v4 =	vbroadcast v6, $0xF  }
0xdd: {  	v56 =	vld.idx.msk [tilespmem:v0+s1+$0xFFFFFFA0 ss:$0x1], $0xffff  }
0xde: {  	v13 =	vld.idx.msk [tilespmem:v0+s1+$0x20 ss:$0x1], $0xffff;
	v3 =	vsel vm11, v3, v5;
	v5 =	vbroadcast v53, $0xF  }
0xdf: {  	v31 =	vld.idx.msk [tilespmem:v1+s1+$0x20 ss:$0x1], $0xffff;
	v3 =	vsel vm12, v3, v4  }
0xe0: {  	v58 =	vld.idx.msk [tilespmem:v0+s1+$0xFFFFFF50 ss:$0x1], $0xffff;
	v3 =	vsel vm13, v3, v5;
	v4, _, _ =	vpop (xrf2)  }
0xe1: {  	v33 =	vld.idx.msk [tilespmem:v0+s1+$0xFFFFFFD0 ss:$0x1], $0xffff;
	v51 =	vsel vm14, v3, v4  }
0xe2: {  	v30 =	vld.idx.msk [tilespmem:v0+s1+$0x0 ss:$0x1], $0xffff;
	v3 =	vmax.f32 v51, $1.000000000e-30  }
0xe3: {  	v7 =	vsub.bf16 v11, v28;
	v11 =	vld.idx.msk [tilespmem:v0+s1+$0xFFFFFF60 ss:$0x1], $0xffff;
	v54 =	vmul.f32 $5.000000000e-01, v3;
	v3 =	vshra.s32 v3, $0x1  }
0xe4: {  	v23 =	vsub.bf16 v23, v36;
	v31 =	vsub.bf16 v13, v31;
	v13 =	vld.idx.msk [tilespmem:v0+s1+$0xFFFFFF00 ss:$0x1], $0xffff;
	v5 =	vsub.s32 $0x5F3759DF, v3  }
0xe5: {  	v26 =	vsub.bf16 v26, v27;
	v27 =	vsub.bf16 v43, v45;
	v61 =	vld.idx.msk [tilespmem:v1+s1+$0xFFFFFF80 ss:$0x1], $0xffff;
	v3 =	vmul.f32 v5, v54  }
0xe6: {  	v8 =	vsub.bf16 v8, v44;
	v37 =	vsub.bf16 v47, v37;
	v59 =	vld.idx.msk [tilespmem:v1+s1+$0xFFFFFF50 ss:$0x1], $0xffff  }
0xe7: {  	v33 =	vsub.bf16 v33, v34;
	v28 =	vsub.bf16 v41, v42;
	v57 =	vld.idx.msk [tilespmem:v1+s1+$0xFFFFFFA0 ss:$0x1], $0xffff;
	v3 =	vmul.f32 v5, v3  }
0xe8: {  	v30 =	vsub.bf16 v30, v38;
	v55 =	vld.idx.msk [tilespmem:v1+s1+$0xFFFFFF70 ss:$0x1], $0xffff;
	v44 =	vsub.bf16 v11, v22  }
0xe9: {  	v47 =	vunpack.i.u.bf16.f32 v27;
	v22 =	vsub.bf16 v13, v63;
	v53 =	vld.idx.msk [tilespmem:v0+s1+$0xFFFFFF70 ss:$0x1], $0xffff;
	v6 =	vsub.f32 $1.500000000e+00, v3  }
0xea: {  	v63 =	vunpack.i.l.bf16.f32 v16;
	v11 =	vunpack.i.u.bf16.f32 v7;
	v3 =	vsub.bf16 v9, v10;
	v9 =	vld.idx.msk [tilespmem:v0+s1+$0xFFFFFF10 ss:$0x1], $0xffff  }
0xeb: {  	v4 =	vsub.bf16 v12, v14;
	v12 =	vmul.f32 v5, v6;
	v5 =	vsub.bf16 v19, v20;
	v19 =	vld.idx.msk [tilespmem:v0+s1+$0xFFFFFF30 ss:$0x1], $0xffff  }
0xec: {  	v42 =	vsub.bf16 v58, v59;
	v59 =	vunpack.i.l.bf16.f32 v23;
	v20 =	vsub.bf16 v24, v21;
	v21 =	vld.idx.msk [tilespmem:v1+s1+$0xFFFFFF30 ss:$0x1], $0xffff  }
0xed: {  	v36 =	vmul.f32 v63, v63;
	v58 =	vunpack.i.u.bf16.f32 v23;
	v63 =	vmul.f32 v59, v59;
	v24 =	vld.idx.msk [tilespmem:v0+s1+$0xFFFFFF40 ss:$0x1], $0xffff  }
0xee: {  	v41 =	vsub.bf16 v56, v57;
	v6 =	vsub.bf16 v29, v15;
	v29 =	vld.idx.msk [tilespmem:v1+s1+$0xFFFFFF40 ss:$0x1], $0xffff;
	v10 =	vmul.f32 v12, v54  }
0xef: {  	v17 =	vld.idx.msk [tilespmem:v1+s1+$0xFFFFFFF0 ss:$0x1], $0xffff;
	v57 =	vunpack.i.l.bf16.f32 v26;
	v15 =	vsub.bf16 v39, v40;
	v40 =	vsub.bf16 v53, v55  }
0xf0: {  	v60 =	vld.idx.msk [tilespmem:v0+s1+$0xFFFFFF80 ss:$0x1], $0xffff;
	v53 =	vunpack.i.l.bf16.f32 v33;
	v55 =	vunpack.i.l.bf16.f32 v37;
	v10 =	vmul.f32 v10, v12  }
0xf1: {  	v32 =	vld.idx.msk [tilespmem:v0+s1+$0xFFFFFFE0 ss:$0x1], $0xffff;
	v39 =	vmul.f32 v55, v55;
	v45 =	vunpack.i.u.bf16.f32 v15;
	v15 =	vunpack.i.l.bf16.f32 v15  }
0xf2: {  	v52 =	vld.idx.msk [tilespmem:v1+s1+$0xFFFFFFC0 ss:$0x1], $0xffff;
	v43 =	vsub.bf16 v9, v18;
	v15 =	vmul.f32 v15, v15;
	v14 =	vsub.f32 $1.500000000e+00, v10  }
0xf3: {  	v19 =	vsub.bf16 v19, v21;
	v24 =	vsub.bf16 v24, v29;
	v29 =	vunpack.i.u.bf16.f32 v26  }
0xf4: {  	v26 =	vunpack.i.u.bf16.f32 v37;
	v10 =	vsub.bf16 v46, v17;
	v34 =	vmul.f32 v14, v12  }
0xf5: {  	v62 =	vld.idx.msk [tilespmem:v1+s1+$0xFFFFFF20 ss:$0x1], $0xffff;
	v17 =	vsub.bf16 v60, v61;
	v46 =	vunpack.i.l.bf16.f32 v20;
	v60 =	vunpack.i.u.bf16.f32 v28  }
0xf6: {  	v28 =	vunpack.i.l.bf16.f32 v28;
	v12 =	vsub.bf16 v32, v48;
	v48 =	vld.idx.msk [tilespmem:v0+s1+$0xFFFFFF20 ss:$0x1], $0xffff;
	v54 =	vmul.f32 v34, v54  }
0xf7: {  	v61 =	vmul.f32 v29, v29;
	v14 =	vsub.bf16 v35, v49;
	v35 =	vsub.bf16 v50, v52  }
0xf8: {  	v29 =	vunpack.i.u.bf16.f32 v40;
	v32 =	vunpack.i.u.bf16.f32 v16;
	v38 =	vmul.f32 v54, v34  }
0xf9: {  	v52 =	vunpack.i.l.bf16.f32 v27;
	v49 =	vunpack.i.u.bf16.f32 v35;
	v35 =	vunpack.i.l.bf16.f32 v35  }
0xfa: {  	v32 =	vmul.f32 v32, v32;
	v35 =	vmul.f32 v35, v35;
	v9 =	vsub.f32 $1.500000000e+00, v38  }
0xfb: {  	v54 =	vunpack.i.u.bf16.f32 v30;
	v21 =	vsub.bf16 v48, v62;
	v48 =	vmul.f32 v58, v58  }
0xfc: {  	v30 =	vunpack.i.l.bf16.f32 v30;
	v58 =	vmul.f32 v60, v60;
	v18 =	vmul.f32 v9, v34  }
0xfd: {  	v27 =	vunpack.i.u.bf16.f32 v31;
	v60 =	vmul.f32 v46, v46;
	v50 =	vmul.f32 v30, v30  }
0xfe: {  	v23 =	vunpack.i.u.bf16.f32 v12;
	v54 =	vmul.f32 v54, v54;
	v16 =	vmul.f32 v18, v51  }
0xff: {  	v51 =	vunpack.i.u.bf16.f32 v33;
	v33 =	vunpack.i.l.bf16.f32 v31;
	v31 =	vmul.f32 v57, v57  }
0x100: {  	v30 =	vunpack.i.l.bf16.f32 v42;
	v38 =	vunpack.i.u.bf16.f32 v20;
	v20 =	vunpack.i.u.bf16.f32 v14  }
0x101: {  	v34 =	vunpack.i.u.bf16.f32 v25;
	v25 =	vunpack.i.l.bf16.f32 v25;
	v62 =	vadd.f32 v31, v61  }
0x102: {  	v56 =	vadd.f32 v63, v48;
	v63 =	vmul.f32 v38, v38;
	v25 =	vmul.f32 v25, v25  }
0x103: {  	v13 =	vld [tilespmem:s24+$0x0];
	v48 =	vunpack.i.u.bf16.f32 v41;
	v57 =	vmul.f32 v28, v28;
	v36 =	vadd.f32 v36, v62  }
0x104: {  	v38 =	vadd.f32 v50, v54;
	v34 =	vmul.f32 v34, v34;
	v25 =	vadd.f32 v25, v56  }
0x105: {  	v9 =	vunpack.i.u.bf16.f32 v5;
	v59 =	vadd.f32 v57, v58;
	v36 =	vadd.f32 v36, v32  }
0x106: {  	v33 =	vmul.f32 v33, v33;
	v61 =	vmul.f32 v27, v27;
	v25 =	vadd.f32 v25, v34  }
0x107: {  	v28 =	vunpack.i.u.bf16.f32 v19;
	v56 =	vunpack.i.l.bf16.f32 v41;
	v62 =	vadd.f32 v60, v59;
	(xrf2) =	vadd.scan.msk.f32 $0xffff, v36  }
0x108: {  	v37 =	vmul.f32 v51, v51;
	v18 =	vsub.f32 v13, v16;
	v33 =	vadd.f32 v33, v61;
	(xrf2) =	vadd.scan.msk.f32 $0xffff, v25  }
0x109: {  	v13 =	vunpack.i.u.bf16.f32 v6;
	v16 =	vunpack.i.u.bf16.f32 v10;
	v34 =	vadd.f32 v62, v63  }
0x10a: {  	v31 =	vunpack.i.u.bf16.f32 v42;
	v57 =	vmul.f32 v45, v45;
	v15 =	vadd.f32 v15, v33  }
0x10b: {  	v27 =	vunpack.i.l.bf16.f32 v40;
	v58 =	vmul.f32 v52, v52;
	v40 =	vmul.f32 v56, v56;
	(xrf2) =	vadd.scan.msk.f32 $0xffff, v34  }
0x10c: {  	v18 =	vmul.f32 v18, v18;
	v59 =	vmul.f32 v49, v49;
	v15 =	vadd.f32 v15, v57  }
0x10d: {  	v38 =	vadd.f32 v58, v38;
	v60 =	vmul.f32 v47, v47;
	v61 =	vmul.f32 v53, v53  }
0x10e: {  	v2 =	vadd.f32 v18, v2;
	v18 =	vunpack.i.u.bf16.f32 v8;
	v25 =	vadd.f32 v35, v59;
	(xrf2) =	vadd.scan.msk.f32 $0xffff, v15  }
0x10f: {  	v32 =	vunpack.i.u.bf16.f32 v43;
	v62 =	vmul.f32 v48, v48;
	v63 =	vadd.f32 v38, v60  }
0x110: {  	s31 =	sshll.u32 s25, $0x9;
	v33 =	vunpack.i.l.bf16.f32 v43;
	v36 =	vunpack.i.u.bf16.f32 v17;
	v35 =	vadd.f32 v61, v25  }
0x111: {  	s30 =	smov.u32 s24;
	s29 =	sshll.u32 s28, $0xD;
	s1 =	simm.s32 $0x1000;
	v38 =	vadd.f32 v40, v62;
	v34 =	vunpack.i.u.bf16.f32 v44;
	v25 =	vunpack.i.l.bf16.f32 v44;
	v15, _, _ =	vpop (xrf2);
	(xrf2) =	vadd.scan.msk.f32 $0xffff, v63  }
.LBB2_3:
0x112: {  	s0 =	sshra.s32 s1, $0x2;
	p1 =	sne.s32 s1, $0x3800;
	v40 =	vmul.f32 v25, v25;
	v41 =	vmul.f32 v34, v34;
	v43 =	vadd.f32 v35, v37;
	v34, _, _ =	vpop (xrf2)  }
0x113: {  	v37 =	vunpack.i.u.bf16.f32 v24;
	v25 =	vld.idx.msk [tilespmem:v0+s0+$0xF0 ss:$0x1], $0xffff;
	v38 =	vadd.f32 v39, v38;
	v39 =	vmul.f32 v26, v26  }
0x114: {  	v42 =	vunpack.i.l.bf16.f32 v24;
	v26 =	vld.idx.msk [tilespmem:v1+s0+$0xF0 ss:$0x1], $0xffff;
	v40 =	vadd.f32 v40, v41;
	v41 =	vmul.f32 v27, v27;
	(xrf2) =	vadd.scan.msk.f32 $0xffff, v43  }
0x115: {  	v42 =	vmul.f32 v42, v42;
	v44 =	vmul.f32 v37, v37;
	v24 =	vld.idx.msk [tilespmem:v0+s0+$0xE0 ss:$0x1], $0xffff;
	v38 =	vadd.f32 v38, v39;
	v35, _, _ =	vpop (xrf2)  }
0x116: {  	v39 =	vunpack.i.u.bf16.f32 v22;
	v27 =	vld.idx.msk [tilespmem:v1+s0+$0xE0 ss:$0x1], $0xffff;
	v40 =	vadd.f32 v41, v40;
	v41 =	vmul.f32 v29, v29  }
0x117: {  	v43 =	vmul.f32 v30, v30;
	v22 =	vunpack.i.l.bf16.f32 v22;
	v42 =	vadd.f32 v42, v44;
	v29 =	vld.idx.msk [tilespmem:v0+s0+$0xD0 ss:$0x1], $0xffff;
	(xrf2) =	vadd.scan.msk.f32 $0xffff, v38  }
0x118: {  	v45 =	vmul.f32 v22, v22;
	v39 =	vmul.f32 v39, v39;
	v30 =	vld.idx.msk [tilespmem:v1+s0+$0xD0 ss:$0x1], $0xffff;
	v40 =	vadd.f32 v40, v41;
	v37, _, _ =	vpop (xrf2)  }
0x119: {  	v42 =	vadd.f32 v43, v42;
	v43 =	vmul.f32 v31, v31;
	v41 =	vunpack.i.u.bf16.f32 v21;
	v22 =	vld.idx.msk [tilespmem:v0+s0+$0xB0 ss:$0x1], $0xffff  }
0x11a: {  	v44 =	vmul.f32 v33, v33;
	v33 =	vunpack.i.l.bf16.f32 v21;
	v39 =	vadd.f32 v45, v39;
	v31 =	vld.idx.msk [tilespmem:v1+s0+$0xB0 ss:$0x1], $0xffff;
	(xrf2) =	vadd.scan.msk.f32 $0xffff, v40  }
0x11b: {  	v41 =	vmul.f32 v41, v41;
	v42 =	vadd.f32 v42, v43;
	v40 =	vmul.f32 v33, v33;
	v21 =	vld.idx.msk [tilespmem:v0+s0+$0x90 ss:$0x1], $0xffff;
	v38, _, _ =	vpop (xrf2)  }
0x11c: {  	v32 =	vmul.f32 v32, v32;
	v45 =	vunpack.i.l.bf16.f32 v19;
	v39 =	vadd.f32 v44, v39;
	v33 =	vld.idx.msk [tilespmem:v1+s0+$0x90 ss:$0x1], $0xffff  }
0x11d: {  	v44 =	vunpack.i.l.bf16.f32 v17;
	v40 =	vadd.f32 v40, v41;
	v41 =	vmul.f32 v45, v45;
	v19 =	vld.idx.msk [tilespmem:v0+s0+$0xC0 ss:$0x1], $0xffff;
	(xrf2) =	vadd.scan.msk.f32 $0xffff, v42  }
0x11e: {  	v36 =	vmul.f32 v36, v36;
	v39 =	vadd.f32 v39, v32;
	v45 =	vmul.f32 v44, v44;
	v17 =	vld.idx.msk [tilespmem:v1+s0+$0xC0 ss:$0x1], $0xffff;
	v43, _, _ =	vpop (xrf2)  }
0x11f: {  	v28 =	vmul.f32 v28, v28;
	v40 =	vadd.f32 v41, v40;
	v41 =	vunpack.i.l.bf16.f32 v14;
	v32 =	vld.idx.msk [tilespmem:v0+s0+$0x70 ss:$0x1], $0xffff  }
0x120: {  	v44 =	vunpack.i.l.bf16.f32 v12;
	v36 =	vadd.f32 v45, v36;
	v41 =	vmul.f32 v41, v41;
	v14 =	vld.idx.msk [tilespmem:v1+s0+$0x70 ss:$0x1], $0xffff;
	(xrf2) =	vadd.scan.msk.f32 $0xffff, v39  }
0x121: {  	v28 =	vadd.f32 v40, v28;
	v39 =	vmul.f32 v44, v44;
	v40 =	vmul.f32 v23, v23;
	v12 =	vld.idx.msk [tilespmem:v0+s0+$0xA0 ss:$0x1], $0xffff;
	v42, _, _ =	vpop (xrf2)  }
0x122: {  	v20 =	vmul.f32 v20, v20;
	v45 =	vunpack.i.l.bf16.f32 v10;
	v36 =	vadd.f32 v41, v36;
	v23 =	vld.idx.msk [tilespmem:v1+s0+$0xA0 ss:$0x1], $0xffff  }
0x123: {  	v44 =	vunpack.i.l.bf16.f32 v8;
	v39 =	vadd.f32 v39, v40;
	v40 =	vmul.f32 v45, v45;
	v10 =	vld.idx.msk [tilespmem:v0+s0+$0x50 ss:$0x1], $0xffff;
	(xrf2) =	vadd.scan.msk.f32 $0xffff, v28  }
0x124: {  	v20 =	vadd.f32 v36, v20;
	v28 =	vmul.f32 v44, v44;
	v36 =	vmul.f32 v18, v18;
	v8 =	vld.idx.msk [tilespmem:v1+s0+$0x50 ss:$0x1], $0xffff;
	v41, _, _ =	vpop (xrf2)  }
0x125: {  	v7 =	vunpack.i.l.bf16.f32 v7;
	v39 =	vadd.f32 v40, v39;
	v40 =	vmul.f32 v16, v16;
	v18 =	vld.idx.msk [tilespmem:v0+s0+$0x80 ss:$0x1], $0xffff  }
0x126: {  	v6 =	vunpack.i.l.bf16.f32 v6;
	v7 =	vmul.f32 v7, v7;
	v28 =	vadd.f32 v28, v36;
	v16 =	vld.idx.msk [tilespmem:v1+s0+$0x80 ss:$0x1], $0xffff;
	(xrf2) =	vadd.scan.msk.f32 $0xffff, v20  }
0x127: {  	v6 =	vmul.f32 v6, v6;
	v36 =	vadd.f32 v39, v40;
	v39 =	vmul.f32 v13, v13;
	v20 =	vld.idx.msk [tilespmem:v0+s0+$0x30 ss:$0x1], $0xffff;
	v44, _, _ =	vpop (xrf2)  }
0x128: {  	v5 =	vunpack.i.l.bf16.f32 v5;
	v40 =	vmul.f32 v11, v11;
	v7 =	vadd.f32 v7, v28;
	v13 =	vld.idx.msk [tilespmem:v1+s0+$0x30 ss:$0x1], $0xffff  }
0x129: {  	v5 =	vmul.f32 v5, v5;
	v6 =	vadd.f32 v6, v39;
	v39 =	vunpack.i.u.bf16.f32 v4;
	v11 =	vld.idx.msk [tilespmem:v0+s0+$0x60 ss:$0x1], $0xffff;
	(xrf2) =	vadd.scan.msk.f32 $0xffff, v36  }
0x12a: {  	v4 =	vunpack.i.l.bf16.f32 v4;
	v47 =	vadd.f32 v7, v40;
	v40 =	vmul.f32 v9, v9;
	v28 =	vld.idx.msk [tilespmem:v1+s0+$0x60 ss:$0x1], $0xffff;
	v45, _, _ =	vpop (xrf2)  }
0x12b: {  	v4 =	vmul.f32 v4, v4;
	v5 =	vadd.f32 v5, v6;
	v6 =	vmul.f32 v39, v39;
	v9 =	vld.idx.msk [tilespmem:v0+s0+$0x10 ss:$0x1], $0xffff  }
0x12c: {  	v46 =	vunpack.i.l.bf16.f32 v3;
	v36 =	vld.idx.msk [tilespmem:v1+s0+$0x10 ss:$0x1], $0xffff;
	(xrf2) =	vadd.scan.msk.f32 $0xffff, v47  }
0x12d: {  	v5 =	vadd.f32 v5, v40;
	v4 =	vadd.f32 v4, v6;
	v6 =	vmul.f32 v46, v46;
	v39 =	vld.idx.msk [tilespmem:v0+s0+$0x40 ss:$0x1], $0xffff;
	v7, _, _ =	vpop (xrf2)  }
0x12e: {  	v3 =	vunpack.i.u.bf16.f32 v3;
	v45 =	vbroadcast v45, $0xF;
	v40 =	vld.idx.msk [tilespmem:v1+s0+$0x40 ss:$0x1], $0xffff;
	v48 =	vbroadcast v7, $0xF  }
0x12f: {  	v3 =	vmul.f32 v3, v3;
	v44 =	vbroadcast v44, $0xF;
	v4 =	vadd.f32 v6, v4;
	v46 =	vld.idx.msk [tilespmem:v0+s0+$0xFFFFFFF0 ss:$0x1], $0xffff;
	(xrf2) =	vadd.scan.msk.f32 $0xffff, v5  }
0x130: {  	v6 =	vbroadcast v41, $0xF;
	v47 =	vld.idx.msk [tilespmem:v1+s0+$0xFFFFFFF0 ss:$0x1], $0xffff;
	v5 =	vsel vm0, v45, v48;
	v7, _, _ =	vpop (xrf2)  }
0x131: {  	v3 =	vadd.f32 v4, v3;
	v41 =	vld.idx.msk [tilespmem:v0+s0+$0x20 ss:$0x1], $0xffff;
	v5 =	vsel vm1, v5, v44;
	v45 =	vbroadcast v7, $0xF  }
0x132: {  	v44 =	vld.idx.msk [tilespmem:v1+s0+$0x20 ss:$0x1], $0xffff;
	v4 =	vsel vm2, v5, v6;
	v5 =	vbroadcast v42, $0xF  }
0x133: {  	v48 =	vbroadcast v43, $0xF;
	v42 =	vld.idx.msk [tilespmem:v0+s0+$0xFFFFFFD0 ss:$0x1], $0xffff;
	v4 =	vsel vm3, v4, v45;
	v7, _, _ =	vpop (xrf2);
	(xrf2) =	vadd.scan.msk.f32 $0xffff, v3  }
0x134: {  	v43 =	vld.idx.msk [tilespmem:v1+s0+$0xFFFFFFD0 ss:$0x1], $0xffff;
	v3 =	vsel vm4, v4, v5;
	v4 =	vbroadcast v7, $0xF  }
0x135: {  	v5 =	vbroadcast v38, $0xF;
	v45 =	vld.idx.msk [tilespmem:v0+s0+$0x0 ss:$0x1], $0xffff;
	v3 =	vsel vm5, v3, v48  }
0x136: {  	v38 =	vld.idx.msk [tilespmem:v1+s0+$0x0 ss:$0x1], $0xffff;
	v3 =	vsel vm6, v3, v4;
	v4 =	vbroadcast v37, $0xF;
	v6, _, _ =	vpop (xrf2)  }
0x137: {  	v37 =	vld.idx.msk [tilespmem:v0+s0+$0xFFFFFFB0 ss:$0x1], $0xffff;
	v3 =	vsel vm7, v3, v5;
	v5 =	vbroadcast v6, $0xF  }
0x138: {  	v48 =	vld.idx.msk [tilespmem:v1+s0+$0xFFFFFFB0 ss:$0x1], $0xffff;
	v3 =	vsel vm8, v3, v4;
	v4 =	vbroadcast v35, $0xF  }
0x139: {  	v35 =	vld.idx.msk [tilespmem:v0+s0+$0xFFFFFFE0 ss:$0x1], $0xffff;
	v3 =	vsel vm9, v3, v5;
	v5 =	vbroadcast v34, $0xF;
	v6, _, _ =	vpop (xrf2)  }
0x13a: {  	v34 =	vld.idx.msk [tilespmem:v1+s0+$0xFFFFFFE0 ss:$0x1], $0xffff;
	v3 =	vsel vm10, v3, v4;
	v6 =	vbroadcast v6, $0xF  }
0x13b: {  	v49 =	vld.idx.msk [tilespmem:v0+s0+$0xFFFFFF90 ss:$0x1], $0xffff;
	v3 =	vsel vm11, v3, v5;
	v5 =	vbroadcast v15, $0xF  }
0x13c: {  	v15 =	vld.idx.msk [tilespmem:v1+s0+$0xFFFFFF90 ss:$0x1], $0xffff;
	v3 =	vsel vm12, v3, v6  }
0x13d: {  	v50 =	vld.idx.msk [tilespmem:v0+s0+$0xFFFFFFC0 ss:$0x1], $0xffff;
	v3 =	vsel vm13, v3, v5;
	v4, _, _ =	vpop (xrf2)  }
0x13e: {  	v51 =	vld.idx.msk [tilespmem:v1+s0+$0xFFFFFFC0 ss:$0x1], $0xffff;
	v52 =	vsel vm14, v3, v4  }
0x13f: {  	v53 =	vld.idx.msk [tilespmem:v0+s0+$0xFFFFFF70 ss:$0x1], $0xffff;
	v3 =	vmax.f32 v52, $1.000000000e-30  }
0x140: {  	v54 =	vld.idx.msk [tilespmem:v1+s0+$0xFFFFFF70 ss:$0x1], $0xffff;
	v55 =	vmul.f32 $5.000000000e-01, v3;
	v3 =	vshra.s32 v3, $0x1  }
0x141: {  	v56 =	vld.idx.msk [tilespmem:v0+s0+$0xFFFFFFA0 ss:$0x1], $0xffff;
	v5 =	vsub.s32 $0x5F3759DF, v3  }
0x142: {  	v57 =	vld.idx.msk [tilespmem:v1+s0+$0xFFFFFFA0 ss:$0x1], $0xffff;
	v3 =	vmul.f32 v5, v55  }
0x143: {  	v58 =	vld.idx.msk [tilespmem:v0+s0+$0xFFFFFF50 ss:$0x1], $0xffff  }
0x144: {  	v59 =	vld.idx.msk [tilespmem:v1+s0+$0xFFFFFF50 ss:$0x1], $0xffff;
	v3 =	vmul.f32 v5, v3  }
0x145: {  	v60 =	vld.idx.msk [tilespmem:v0+s0+$0xFFFFFF80 ss:$0x1], $0xffff  }
0x146: {  	v61 =	vld.idx.msk [tilespmem:v1+s0+$0xFFFFFF80 ss:$0x1], $0xffff;
	v6 =	vsub.f32 $1.500000000e+00, v3  }
0x147: {  	v3 =	vsub.bf16 v25, v26;
	v62 =	vld.idx.msk [tilespmem:v0+s0+$0xFFFFFF10 ss:$0x1], $0xffff  }
0x148: {  	v4 =	vsub.bf16 v24, v27;
	v26 =	vsub.bf16 v29, v30;
	v25 =	vld.idx.msk [tilespmem:v1+s0+$0xFFFFFF10 ss:$0x1], $0xffff;
	v24 =	vmul.f32 v5, v6  }
0x149: {  	v29 =	vsub.bf16 v21, v33;
	v5 =	vsub.bf16 v22, v31;
	v27 =	vld.idx.msk [tilespmem:v0+s0+$0xFFFFFF30 ss:$0x1], $0xffff  }
0x14a: {  	v30 =	vsub.bf16 v32, v14;
	v31 =	vsub.bf16 v19, v17;
	v21 =	vld.idx.msk [tilespmem:v1+s0+$0xFFFFFF30 ss:$0x1], $0xffff;
	v14 =	vmul.f32 v24, v55  }
0x14b: {  	v7 =	vsub.bf16 v10, v8;
	v6 =	vsub.bf16 v12, v23;
	v22 =	vld.idx.msk [tilespmem:v0+s0+$0xFFFFFF60 ss:$0x1], $0xffff  }
0x14c: {  	v18 =	vsub.bf16 v18, v16;
	v20 =	vsub.bf16 v20, v13;
	v23 =	vld.idx.msk [tilespmem:v1+s0+$0xFFFFFF60 ss:$0x1], $0xffff;
	v10 =	vmul.f32 v14, v24  }
0x14d: {  	v28 =	vsub.bf16 v11, v28;
	v32 =	vsub.bf16 v9, v36;
	v13 =	vld.idx.msk [tilespmem:v0+s0+$0xFFFFFF40 ss:$0x1], $0xffff  }
0x14e: {  	v8 =	vsub.bf16 v39, v40;
	v9 =	vld.idx.msk [tilespmem:v1+s0+$0xFFFFFF40 ss:$0x1], $0xffff;
	v11 =	vsub.f32 $1.500000000e+00, v10  }
0x14f: {  	v33 =	vsub.bf16 v41, v44;
	v10 =	vsub.bf16 v46, v47;
	v16 =	vld.idx.msk [tilespmem:v0+s0+$0xFFFFFF00 ss:$0x1], $0xffff  }
0x150: {  	v39 =	vsub.bf16 v42, v43;
	v38 =	vsub.bf16 v45, v38;
	v36 =	vld.idx.msk [tilespmem:v1+s0+$0xFFFFFF00 ss:$0x1], $0xffff;
	v11 =	vmul.f32 v11, v24  }
0x151: {  	v37 =	vsub.bf16 v37, v48;
	v12 =	vsub.bf16 v35, v34;
	v40 =	vld.idx.msk [tilespmem:v0+s0+$0xFFFFFF20 ss:$0x1], $0xffff  }
0x152: {  	v14 =	vsub.bf16 v49, v15;
	v15 =	vsub.bf16 v50, v51;
	v34 =	vld.idx.msk [tilespmem:v1+s0+$0xFFFFFF20 ss:$0x1], $0xffff;
	v19 =	vmul.f32 v11, v55  }
0x153: {  	v41 =	vsub.bf16 v56, v57;
	v35 =	vsub.bf16 v53, v54  }
0x154: {  	v42 =	vsub.bf16 v58, v59;
	v17 =	vsub.bf16 v60, v61;
	v24 =	vmul.f32 v19, v11  }
0x155: {  	v43 =	vsub.bf16 v62, v25;
	v19 =	vsub.bf16 v27, v21  }
0x156: {  	s30 =	sadd.s32 $0x10, s30;
	v25 =	vsub.bf16 v22, v23;
	v23 =	vsub.f32 $1.500000000e+00, v24  }
0x157: {  	v22 =	vsub.bf16 v16, v36;
	v24 =	vsub.bf16 v13, v9;
	v13 =	vld [tilespmem:s30+$0x0]  }
0x158: {  	v27 =	vunpack.i.u.bf16.f32 v26;
	v21 =	vsub.bf16 v40, v34;
	v16 =	vmul.f32 v23, v11  }
0x159: {  	v36 =	vunpack.i.l.bf16.f32 v26;
	v9 =	vunpack.i.u.bf16.f32 v5;
	v34 =	vunpack.i.u.bf16.f32 v29  }
0x15a: {  	v40 =	vunpack.i.u.bf16.f32 v30;
	v11 =	vunpack.i.u.bf16.f32 v7;
	v16 =	vmul.f32 v16, v52  }
0x15b: {  	v44 =	vunpack.i.l.bf16.f32 v29;
	v29 =	vunpack.i.l.bf16.f32 v31;
	v23 =	vunpack.i.u.bf16.f32 v31  }
0x15c: {  	v45 =	vunpack.i.u.bf16.f32 v20;
	v30 =	vunpack.i.l.bf16.f32 v30;
	v26 =	vsub.f32 v13, v16  }
0x15d: {  	v46 =	vunpack.i.u.bf16.f32 v32;
	v47 =	vunpack.i.u.bf16.f32 v18;
	v13 =	vunpack.i.u.bf16.f32 v6  }
0x15e: {  	v48 =	vunpack.i.l.bf16.f32 v18;
	v16 =	vunpack.i.u.bf16.f32 v10;
	v18 =	vmul.f32 v26, v26  }
0x15f: {  	v49 =	vunpack.i.l.bf16.f32 v20;
	v50 =	vunpack.i.u.bf16.f32 v28;
	v28 =	vunpack.i.l.bf16.f32 v28  }
0x160: {  	v51 =	vunpack.i.u.bf16.f32 v39;
	v52 =	vunpack.i.l.bf16.f32 v32;
	v2 =	vadd.f32 v18, v2  }
0x161: {  	v53 =	vunpack.i.u.bf16.f32 v33;
	v26 =	vunpack.i.u.bf16.f32 v37;
	v18 =	vunpack.i.u.bf16.f32 v8  }
0x162: {  	v33 =	vunpack.i.l.bf16.f32 v33;
	v39 =	vunpack.i.l.bf16.f32 v39;
	v20 =	vunpack.i.u.bf16.f32 v14  }
0x163: {  	v54 =	vunpack.i.u.bf16.f32 v38;
	v31 =	vmul.f32 v29, v29;
	v32 =	vmul.f32 v23, v23  }
0x164: {  	v55 =	vunpack.i.l.bf16.f32 v37;
	v29 =	vunpack.i.u.bf16.f32 v35;
	v37 =	vunpack.i.l.bf16.f32 v38  }
0x165: {  	v36 =	vmul.f32 v36, v36;
	v23 =	vunpack.i.u.bf16.f32 v12;
	v32 =	vadd.f32 v31, v32  }
0x166: {  	v47 =	vmul.f32 v47, v47;
	v31 =	vunpack.i.u.bf16.f32 v42;
	v38 =	vmul.f32 v48, v48  }
0x167: {  	v27 =	vmul.f32 v27, v27;
	v48 =	vunpack.i.u.bf16.f32 v15;
	v32 =	vadd.f32 v36, v32  }
0x168: {  	v15 =	vunpack.i.l.bf16.f32 v15;
	v36 =	vadd.f32 v38, v47;
	v38 =	vmul.f32 v44, v44  }
0x169: {  	v44 =	vmul.f32 v28, v28;
	v47 =	vmul.f32 v50, v50;
	v27 =	vadd.f32 v32, v27  }
0x16a: {  	v34 =	vmul.f32 v34, v34;
	v32 =	vunpack.i.u.bf16.f32 v43;
	v36 =	vadd.f32 v38, v36  }
0x16b: {  	v30 =	vmul.f32 v30, v30;
	v28 =	vunpack.i.u.bf16.f32 v19;
	v38 =	vadd.f32 v44, v47;
	(xrf2) =	vadd.scan.msk.f32 $0xffff, v27  }
0x16c: {  	v33 =	vmul.f32 v33, v33;
	v44 =	vmul.f32 v53, v53;
	v34 =	vadd.f32 v36, v34  }
0x16d: {  	v30 =	vadd.f32 v30, v38;
	v27 =	vunpack.i.l.bf16.f32 v35;
	v35 =	vmul.f32 v40, v40  }
0x16e: {  	v38 =	vunpack.i.u.bf16.f32 v41;
	v33 =	vadd.f32 v33, v44;
	v36 =	vmul.f32 v49, v49;
	(xrf2) =	vadd.scan.msk.f32 $0xffff, v34  }
0x16f: {  	v35 =	vadd.f32 v30, v35;
	v34 =	vmul.f32 v37, v37;
	v37 =	vmul.f32 v54, v54  }
0x170: {  	v33 =	vadd.f32 v36, v33;
	v36 =	vmul.f32 v45, v45;
	v40 =	vunpack.i.l.bf16.f32 v41  }
0x171: {  	v30 =	vunpack.i.l.bf16.f32 v42;
	v34 =	vadd.f32 v34, v37;
	v37 =	vmul.f32 v52, v52;
	(xrf2) =	vadd.scan.msk.f32 $0xffff, v35  }
0x172: {  	v41 =	vadd.f32 v33, v36;
	v42 =	vmul.f32 v15, v15;
	v35 =	vmul.f32 v48, v48  }
.Ltmp0:
0x173: {  	v36 =	vunpack.i.u.bf16.f32 v17;
	v34 =	vadd.f32 v37, v34;
	v37 =	vmul.f32 v46, v46;
	(pc) =	sbr.rel @p1 .LBB2_3-.Ltmp0, $4  }
0x174: {  	v39 =	vmul.f32 v39, v39;
	v33 =	vunpack.i.l.bf16.f32 v43;
	v35 =	vadd.f32 v42, v35;
	(xrf2) =	vadd.scan.msk.f32 $0xffff, v41  }
0x175: {  	v38 =	vmul.f32 v38, v38;
	v40 =	vmul.f32 v40, v40;
	v41 =	vadd.f32 v34, v37;
	v15, _, _ =	vpop (xrf2)  }
0x176: {  	v34 =	vunpack.i.u.bf16.f32 v25;
	v37 =	vmul.f32 v51, v51;
	v35 =	vadd.f32 v39, v35  }
0x177: {  	s1 =	sadd.s32 $0x800, s1;
	v38 =	vadd.f32 v40, v38;
	v25 =	vunpack.i.l.bf16.f32 v25;
	v39 =	vmul.f32 v55, v55;
	(xrf2) =	vadd.scan.msk.f32 $0xffff, v41  }
0x178: {  	v0 =	vmul.f32 v25, v25;
	v1 =	vmul.f32 v34, v34;
	v49 =	vadd.f32 v35, v37  }
0x179: {  	v50 =	vunpack.i.u.bf16.f32 v24;
	v26 =	vmul.f32 v26, v26;
	v52 =	vunpack.i.l.bf16.f32 v24  }
0x17a: {  	v54 =	vunpack.i.u.bf16.f32 v22;
	v55 =	vunpack.i.l.bf16.f32 v22;
	v56 =	vmul.f32 v30, v30  }
0x17b: {  	v58 =	vmul.f32 v31, v31;
	v59 =	vmul.f32 v33, v33;
	v60 =	vunpack.i.l.bf16.f32 v21  }
0x17c: {  	v61 =	vmul.f32 v32, v32;
	v19 =	vunpack.i.l.bf16.f32 v19;
	v17 =	vunpack.i.l.bf16.f32 v17  }
0x17d: {  	v63 =	vmul.f32 v36, v36;
	v0 =	vadd.f32 v0, v1;
	v1 =	vmul.f32 v27, v27  }
0x17e: {  	v25 =	vmul.f32 v28, v28;
	v14 =	vunpack.i.l.bf16.f32 v14;
	v12 =	vunpack.i.l.bf16.f32 v12  }
0x17f: {  	v24 =	vmul.f32 v52, v52;
	v0 =	vadd.f32 v1, v0;
	v1 =	vmul.f32 v29, v29  }
0x180: {  	v51 =	vadd.f32 v39, v38;
	v53 =	vmul.f32 v50, v50;
	v22 =	vmul.f32 v55, v55  }
0x181: {  	v57 =	vmul.f32 v54, v54;
	v0 =	vadd.f32 v0, v1;
	v1 =	vunpack.i.u.bf16.f32 v21  }
0x182: {  	p1 =	sgt.u32 s25, $0x3F;
	v24 =	vadd.f32 v24, v53;
	v21 =	vmul.f32 v60, v60;
	v1 =	vmul.f32 v1, v1  }
0x183: {  	v28 =	vmul.f32 v23, v23;
	s0 =	sshrl.u32 @!p1 s31, $0x2;
	v26 =	vadd.f32 v51, v26;
	v22 =	vadd.f32 v22, v57  }
0x184: {  	v19 =	vmul.f32 v19, v19;
	v27 =	vld @!p1 [tilespmem:s0+$0x8100];
	v24 =	vadd.f32 v56, v24;
	v1 =	vadd.f32 v21, v1  }
0x185: {  	v10 =	vunpack.i.l.bf16.f32 v10;
	v8 =	vunpack.i.l.bf16.f32 v8;
	(xrf2) =	vadd.scan.msk.f32 $0xffff, v49;
	v22 =	vadd.f32 v59, v22  }
0x186: {  	v30 =	vmul.f32 v18, v18;
	(xrf2) =	vadd.scan.msk.f32 $0xffff, v26;
	v24 =	vadd.f32 v24, v58;
	v1 =	vadd.f32 v19, v1  }
0x187: {  	v17 =	vmul.f32 v17, v17;
	v62 =	vadd.f32 v22, v61;
	(xrf2) =	vadd.scan.msk.f32 $0xffff, v0;
	v0 =	vmul.f32 v12, v12  }
0x188: {  	s1 =	sadd.s32 $0x10, s30;
	v31 =	vmul.f32 v16, v16;
	v14 =	vmul.f32 v14, v14;
	(xrf2) =	vadd.scan.msk.f32 $0xffff, v24;
	v1 =	vadd.f32 v1, v25  }
0x189: {  	v17 =	vadd.f32 v17, v63;
	(xrf2) =	vadd.scan.msk.f32 $0xffff, v62;
	v12 =	vadd.f32 v0, v28;
	v0 =	vld [tilespmem:s1+$0x0];
	s1 =	sshll.u32 @!p1 s28, $0x7;
	v19 =	vand.u32 @!p1 $0x3FFF, v27  }
0x18a: {  	v7 =	vunpack.i.l.bf16.f32 v7;
	[tilespmem:s1+$0xC200] =	vst @!p1 v19;
	(xrf2) =	vadd.scan.msk.f32 $0xffff, v1;
	v1 =	vshrl.u32 @!p1 v27, $0xE  }
0x18b: {  	v13 =	vmul.f32 v13, v13;
	v29 =	vmul.f32 v20, v20;
	v14 =	vadd.f32 v14, v17;
	[tilespmem:s1+$0xC300] =	vst @!p1 v1  }
0x18c: {  	v6 =	vunpack.i.l.bf16.f32 v6;
	v11 =	vmul.f32 v11, v11;
	v10 =	vmul.f32 v10, v10;
	v16 =	vld @!p1 [tilespmem:s0+$0x8110]  }
0x18d: {  	v5 =	vunpack.i.l.bf16.f32 v5;
	v8 =	vmul.f32 v8, v8;
	v14 =	vadd.f32 v14, v29;
	v1, _, _ =	vpop (xrf2)  }
0x18e: {  	v37 =	vunpack.i.u.bf16.f32 v4;
	v40 =	vunpack.i.l.bf16.f32 v4;
	v10 =	vadd.f32 v10, v12;
	v32, _, _ =	vpop (xrf2)  }
0x18f: {  	v7 =	vmul.f32 v7, v7;
	v6 =	vmul.f32 v6, v6;
	v8 =	vadd.f32 v8, v30;
	v33, _, _ =	vpop (xrf2);
	(xrf2) =	vadd.scan.msk.f32 $0xffff, v14  }
0x190: {  	v5 =	vmul.f32 v5, v5;
	v4 =	vmul.f32 v40, v40;
	v10 =	vadd.f32 v10, v31;
	v34, _, _ =	vpop (xrf2)  }
0x191: {  	v42 =	vmul.f32 v37, v37;
	v7 =	vadd.f32 v7, v8;
	v35, _, _ =	vpop (xrf2);
	v14 =	vand.u32 @!p1 $0x3FFF, v16  }
0x192: {  	v6 =	vadd.f32 v6, v13;
	(xrf2) =	vadd.scan.msk.f32 $0xffff, v10;
	v10 =	vshrl.u32 @!p1 v16, $0xE;
	v36, _, _ =	vpop (xrf2);
	[tilespmem:s1+$0xC210] =	vst @!p1 v14  }
0x193: {  	v9 =	vmul.f32 v9, v9;
	v43 =	vunpack.i.l.bf16.f32 v3;
	v7 =	vadd.f32 v7, v11;
	[tilespmem:s1+$0xC310] =	vst @!p1 v10;
	v38, _, _ =	vpop (xrf2)  }
0x194: {  	v44 =	vmul.f32 v43, v43;
	v4 =	vadd.f32 v4, v42;
	v5 =	vadd.f32 v5, v6;
	v14 =	vld @!p1 [tilespmem:s0+$0x8120];
	v39, _, _ =	vpop (xrf2)  }
0x195: {  	v3 =	vunpack.i.u.bf16.f32 v3;
	(xrf2) =	vadd.scan.msk.f32 $0xffff, v7;
	v41, _, _ =	vpop (xrf2)  }
0x196: {  	v3 =	vmul.f32 v3, v3;
	v4 =	vadd.f32 v44, v4;
	v5 =	vadd.f32 v5, v9;
	v45, _, _ =	vpop (xrf2)  }
0x197: {  	v6 =	vbroadcast v41, $0xF;
	v9 =	vbroadcast v45, $0xF  }
0x198: {  	v3 =	vadd.f32 v4, v3;
	(xrf2) =	vadd.scan.msk.f32 $0xffff, v5;
	v46 =	vbroadcast v39, $0xF  }
0x199: {  	v48 =	vbroadcast v38, $0xF;
	v4 =	vshrl.u32 @!p1 v14, $0xE;
	v47 =	vsel vm0, v6, v9;
	v49, _, _ =	vpop (xrf2)  }
0x19a: {  	v9 =	vand.u32 @!p1 $0x3FFF, v14;
	[tilespmem:s1+$0xC320] =	vst @!p1 v4;
	v5 =	vsel vm1, v47, v46;
	v7 =	vbroadcast v49, $0xF  }
0x19b: {  	v50 =	vbroadcast v36, $0xF;
	[tilespmem:s1+$0xC220] =	vst @!p1 v9;
	v5 =	vsel vm2, v5, v48  }
0x19c: {  	v52 =	vbroadcast v35, $0xF;
	(xrf2) =	vadd.scan.msk.f32 $0xffff, v3;
	v53, _, _ =	vpop (xrf2);
	v3 =	vld @!p1 [tilespmem:s0+$0x8130];
	v51 =	vsel vm3, v5, v7  }
0x19d: {  	v54 =	vbroadcast v53, $0xF;
	v4 =	vsel vm4, v51, v50  }
0x19e: {  	v55 =	vbroadcast v34, $0xF;
	v4 =	vsel vm5, v4, v52  }
0x19f: {  	v56 =	vbroadcast v33, $0xF;
	v57, _, _ =	vpop (xrf2);
	v4 =	vsel vm6, v4, v54  }
0x1a0: {  	v59 =	vbroadcast v32, $0xF;
	v58 =	vbroadcast v57, $0xF;
	v4 =	vsel vm7, v4, v55  }
0x1a1: {  	v7 =	vand.u32 @!p1 $0x3FFF, v3;
	v3 =	vshrl.u32 @!p1 v3, $0xE;
	v4 =	vsel vm8, v4, v56  }
0x1a2: {  	v1 =	vbroadcast v1, $0xF;
	v60, _, _ =	vpop (xrf2);
	[tilespmem:s1+$0xC330] =	vst @!p1 v3;
	v3 =	vbroadcast v15, $0xF;
	v4 =	vsel vm9, v4, v58  }
0x1a3: {  	v5 =	vbroadcast v60, $0xF;
	[tilespmem:s1+$0xC230] =	vst @!p1 v7;
	v4 =	vsel vm10, v4, v59  }
0x1a4: {  	v1 =	vsel vm11, v4, v1;
	v4 =	vld @!p1 [tilespmem:s0+$0x8140]  }
0x1a5: {  	v1 =	vsel vm12, v1, v5  }
0x1a6: {  	v1 =	vsel vm13, v1, v3;
	v3, _, _ =	vpop (xrf2)  }
0x1a7: {  	v1 =	vsel vm14, v1, v3  }
0x1a8: {  	v3 =	vmax.f32 v1, $1.000000000e-30  }
0x1a9: {  	v61 =	vmul.f32 $5.000000000e-01, v3;
	v3 =	vshra.s32 v3, $0x1;
	v6 =	vand.u32 @!p1 $0x3FFF, v4  }
0x1aa: {  	v4 =	vshrl.u32 @!p1 v4, $0xE;
	v3 =	vsub.s32 $0x5F3759DF, v3;
	[tilespmem:s1+$0xC240] =	vst @!p1 v6  }
0x1ab: {  	[tilespmem:s1+$0xC340] =	vst @!p1 v4;
	v62 =	vmul.f32 v3, v61  }
0x1ac: {  	v4 =	vld @!p1 [tilespmem:s0+$0x8150]  }
0x1ad: {  	v6 =	vmul.f32 v3, v62;
	_ =	sdelay $0x1  }
0x1ae: {  	v6 =	vsub.f32 $1.500000000e+00, v6;
	_ =	sdelay $0x1  }
0x1af: {  	v3 =	vmul.f32 v3, v6;
	v6 =	vand.u32 @!p1 $0x3FFF, v4  }
0x1b0: {  	v4 =	vshrl.u32 @!p1 v4, $0xE;
	[tilespmem:s1+$0xC250] =	vst @!p1 v6  }
0x1b1: {  	[tilespmem:s1+$0xC350] =	vst @!p1 v4;
	v63 =	vmul.f32 v3, v61  }
0x1b2: {  	v4 =	vld @!p1 [tilespmem:s0+$0x8160]  }
0x1b3: {  	v6 =	vmul.f32 v63, v3;
	_ =	sdelay $0x1  }
0x1b4: {  	v6 =	vsub.f32 $1.500000000e+00, v6;
	_ =	sdelay $0x1  }
0x1b5: {  	v3 =	vmul.f32 v6, v3;
	v6 =	vand.u32 @!p1 $0x3FFF, v4  }
0x1b6: {  	v4 =	vshrl.u32 @!p1 v4, $0xE;
	[tilespmem:s1+$0xC260] =	vst @!p1 v6  }
0x1b7: {  	[tilespmem:s1+$0xC360] =	vst @!p1 v4;
	v5 =	vmul.f32 v3, v61  }
0x1b8: {  	v4 =	vld @!p1 [tilespmem:s0+$0x8170]  }
0x1b9: {  	v5 =	vmul.f32 v5, v3;
	_ =	sdelay $0x1  }
0x1ba: {  	v5 =	vsub.f32 $1.500000000e+00, v5;
	_ =	sdelay $0x1  }
0x1bb: {  	v3 =	vmul.f32 v5, v3;
	v5 =	vand.u32 @!p1 $0x3FFF, v4  }
0x1bc: {  	s0 =	sshrl.u32 @!p1 s29, $0x1;
	v4 =	vshrl.u32 @!p1 v4, $0xE;
	[tilespmem:s1+$0xC270] =	vst @!p1 v5  }
0x1bd: {  	s30 =	simm.s32 @!p1 $0x80;
	s28 =	sor.u32 @!p1 $0xC200, s1;
	s29 =	sadd.s32 @!p1 $0xC400, s0;
	[tilespmem:s1+$0xC370] =	vst @!p1 v4  }
0x1be: {  	[tilespmem:s29], [sflag:s26] =	stream.indirect.gather @!p1 [spmem:s2], $0x20, s28, s30, $0xb8;
	[tilespmem:$0x10410] =	vst v63  }
0x1bf: {  	s25 =	sadd.s32 $0x1, s25;
	s0 =	sadd.s32 @!p1 $0xE400, s0;
	s1 =	sor.u32 @!p1 $0xC300, s1  }
0x1c0: {  	v1 =	vmul.f32 v3, v1;
	[tilespmem:s0], [sflag:s26] =	stream.indirect.gather @!p1 [spmem:s2], $0x20, s1, s30, $0xb8;
	[tilespmem:$0x10410] =	vst v63  }
0x1c1: {  	p1 =	sne.s32 s25, $0x42  }
.Ltmp1:
0x1c2: {  	v0 =	vsub.f32 v0, v1;
	(pc) =	sbr.rel @p1 .LBB2_2-.Ltmp1, $3  }
0x1c3: {  	_ = 	snop  }
0x1c4: {  	v0 =	vmul.f32 v0, v0;
	_ =	sdelay $0x1  }
0x1c5: {  	s24 =	sadd.s32 $0x80, s24;
	p0 =	por !p0, !p0;
	v2 =	vadd.f32 v0, v2  }
0x1c6: {  	s23 =	sadd.s32 $0x1, s23  }
0x1c7: {  	p0 =	sne.s32 s23, s9  }
.Ltmp2:
0x1c8: {  	[tilespmem:$0x10400] =	vst v2;
	(pc) =	sbr.rel @p0 .LBB2_1-.Ltmp2, $4  }
0x1c9: {  	[hbm4b:s8+s3] =	stream.linear.scatter [tilespmem:s22], [sflag:$0x3], $0x10, $0x38;
	[tilespmem:$0x10410] =	vst v63  }
0x1ca: {  	_ =	swait.ge [sflag:s11], $0x10  }
0x1cb: {  	[sflag:s11] =	ssyncset.done $0x0  }
0x1cc: {  	[sflag:s11] =	ssyncadd.s32 $0xFFFFFFF0  }
0x1cd: {  	_ =	sfence.sel $0x180000  }
0x1ce: {  	[bflag:$0x0] =	sbarrier.arrive $0xFFFF  }
0x1cf: {  	_ =	strace $0x90000047  }
0x1d0: {  	s0 =	stileid.u32;
	[bflag:$0x2] =	sbarrier.arrive $0xFFFF  }
0x1d1: {  	p0 =	sne.s32 s0, $0x0;
	s0 =	rddreg [dreg:$0x2]  }
0x1d2: {  	s0 =	sadd.s32 @!p0 $0x100000, s0  }
0x1d3: {  	[sflag:s0] =	ssyncadd.tile.s32 @!p0 $0x1;
	_ =	shalt  }
.Lfunc_end2:
_tile_overlayer_lowered:
.L_overlay_start_2:
0x1d4: {  	(tag) =	ssettag $0x2  }
0x1d5: {  	s0 =	rddreg [dreg:$0x0];
	s2 =	stileid.u32  }
0x1d6: {  	s1 =	rddreg [dreg:$0x1];
	p0 =	sne.s32 s2, $0x0  }
0x1d7: {  	s3 =	rddreg [dreg:$0x2];
	[bflag:$0x3] =	sbarrier.arrive $0xFFFF;
	s2 =	simm.s32 @!p0 $0x1C03  }
0x1d8: {  	[timem:s3], [sflag:s2] =	dma.local @!p0 [hbm:s0], s1  }
0x1d9: {  	s0 =	simm.s32 @!p0 $0x3  }
0x1da: {  	_ =	swait.ge @!p0 [sflag:s0], s1  }
0x1db: {  	s1 =	ssub.s32 @!p0 $0x0, s1;
	[sflag:s0] =	ssyncset.done @!p0 $0x0  }
0x1dc: {  	[sflag:s0] =	ssyncadd.s32 @!p0 s1  }
0x1dd: {  	[bflag:$0x3] =	sbarrier.arrive $0xFFFF  }
0x1de: {  	_ =	shalt  }

</sc_bundles>
